<compile_context>
chip_gen: v7x
topology: tpu7x:2x2x1
jax: 0.10.2.dev20260603
libtpu: 0.0.44.dev20260713+nightly
codegen_flags: <defaults>
</compile_context>

<pallas_src>
import functools

import jax
import jax.numpy as jnp
from jax import lax
from jax.experimental import pallas as pl
from jax.experimental.pallas import tpu as pltpu
from jax.experimental.pallas import tpu_sc as plsc

N = 10000
NP = 10240
D = 128
E = 320000
NC = 2
NS = 16
NW = NC * NS
EPW = E // NW
CH = 128
NCH = 80
DUMP = N
ZR = NP // NS
RB = 1024
GRID = NP // RB

_mesh = plsc.VectorSubcoreMesh(core_axis_name="c", subcore_axis_name="s")


@functools.partial(
    pl.kernel,
    out_type=jax.ShapeDtypeStruct((NC, NP), jnp.float32),
    mesh=_mesh,
    scratch_types=[
        pltpu.VMEM((NCH, CH), jnp.int32),
        pltpu.VMEM((CH,), jnp.float32),
        pltpu.VMEM((ZR,), jnp.float32),
        pltpu.VMEM_SHARED((NP,), jnp.float32),
    ],
)
def _deg_kernel(dst_hbm, out_hbm, dst_v, ones_v, z_v, deg_sh):
    cid = lax.axis_index("c")
    sid = lax.axis_index("s")
    w = cid * NS + sid
    pltpu.sync_copy(dst_hbm.at[w], dst_v)
    one = jnp.full((16,), 1.0, dtype=jnp.float32)
    zero = jnp.zeros((16,), dtype=jnp.float32)
    for i in range(CH // 16):
        ones_v[pl.ds(i * 16, 16)] = one
    for i in range(ZR // 16):
        z_v[pl.ds(i * 16, 16)] = zero
    pltpu.sync_copy(z_v, deg_sh.at[pl.ds(sid * ZR, ZR)])
    plsc.subcore_barrier()

    @pl.loop(0, NCH)
    def _(c):
        pltpu.sync_copy(ones_v, deg_sh.at[dst_v.at[c]], add=True)

    plsc.subcore_barrier()

    @pl.when(sid == 0)
    def _():
        pltpu.sync_copy(deg_sh, out_hbm.at[cid])


@functools.partial(
    pl.kernel,
    out_type=jax.ShapeDtypeStruct((NC, NP, D), jnp.float32),
    mesh=_mesh,
    scratch_types=[
        pltpu.VMEM((1, CH), jnp.int32),
        pltpu.VMEM((1, CH), jnp.int32),
        pltpu.VMEM((NCH, CH), jnp.int32),
        pltpu.VMEM((CH, D), jnp.float32),
        pltpu.VMEM((CH, D), jnp.float32),
        pltpu.VMEM_SHARED((NP, D), jnp.float32),
        pltpu.SemaphoreType.DMA,
        pltpu.SemaphoreType.DMA,
        pltpu.SemaphoreType.DMA,
        pltpu.SemaphoreType.DMA,
        pltpu.SemaphoreType.DMA,
        pltpu.SemaphoreType.DMA,
    ],
)
def _agg_kernel(hs_hbm, src_hbm, dst_hbm, zero_hbm, out_hbm,
                si0, si1, dst_v, buf0, buf1, agg_sh,
                ssem0, ssem1, gsem0, gsem1, wsem0, wsem1):
    cid = lax.axis_index("c")
    sid = lax.axis_index("s")
    w = cid * NS + sid
    pltpu.sync_copy(dst_hbm.at[w], dst_v)
    rows = pl.ds(sid * ZR, ZR)

    @pl.when(cid == 0)
    def _():
        pltpu.sync_copy(hs_hbm.at[rows], agg_sh.at[rows])

    @pl.when(cid == 1)
    def _():
        pltpu.sync_copy(zero_hbm, agg_sh.at[rows])

    plsc.subcore_barrier()

    pltpu.async_copy(src_hbm.at[w, pl.ds(0, 1)], si0, ssem0)
    pltpu.async_copy(src_hbm.at[w, pl.ds(1, 1)], si1, ssem1)
    pltpu.make_async_copy(src_hbm.at[w, pl.ds(0, 1)], si0, ssem0).wait()
    pltpu.async_copy(hs_hbm.at[si0.at[0]], buf0, gsem0)
    pltpu.make_async_copy(src_hbm.at[w, pl.ds(1, 1)], si1, ssem1).wait()
    pltpu.async_copy(hs_hbm.at[si1.at[0]], buf1, gsem1)

    @pl.loop(0, NCH, step=2)
    def _(c):
        pltpu.make_async_copy(hs_hbm.at[si0.at[0]], buf0, gsem0).wait()
        pltpu.async_copy(src_hbm.at[w, pl.ds(c + 2, 1)], si0, ssem0)
        pltpu.async_copy(buf0, agg_sh.at[dst_v.at[c]], wsem0, add=True)

        pltpu.make_async_copy(hs_hbm.at[si1.at[0]], buf1, gsem1).wait()
        pltpu.async_copy(src_hbm.at[w, pl.ds(c + 3, 1)], si1, ssem1)
        pltpu.async_copy(buf1, agg_sh.at[dst_v.at[c + 1]], wsem1, add=True)

        pltpu.make_async_copy(buf0, agg_sh.at[dst_v.at[c]], wsem0).wait()
        pltpu.make_async_copy(src_hbm.at[w, pl.ds(c + 2, 1)], si0, ssem0).wait()

        @pl.when(c + 2 < NCH)
        def _():
            pltpu.async_copy(hs_hbm.at[si0.at[0]], buf0, gsem0)

        pltpu.make_async_copy(buf1, agg_sh.at[dst_v.at[c + 1]], wsem1).wait()
        pltpu.make_async_copy(src_hbm.at[w, pl.ds(c + 3, 1)], si1, ssem1).wait()

        @pl.when(c + 3 < NCH)
        def _():
            pltpu.async_copy(hs_hbm.at[si1.at[0]], buf1, gsem1)

    plsc.subcore_barrier()
    pltpu.sync_copy(agg_sh.at[rows], out_hbm.at[cid, rows])


def _tc1_body(x_ref, w_ref, p_ref, hs_ref, dis_ref):
    p = p_ref[...]
    deg = p[0] + p[1] + 1.0
    dis = lax.rsqrt(deg)
    h = jnp.dot(x_ref[...], w_ref[...], preferred_element_type=jnp.float32)
    hs_ref[...] = h * dis
    dis_ref[...] = dis


_tc1 = pl.pallas_call(
    _tc1_body,
    grid=(GRID,),
    in_specs=[
        pl.BlockSpec((RB, D), lambda i: (i, 0)),
        pl.BlockSpec((D, D), lambda i: (0, 0)),
        pl.BlockSpec((NC, RB, 1), lambda i: (0, i, 0)),
    ],
    out_specs=[
        pl.BlockSpec((RB, D), lambda i: (i, 0)),
        pl.BlockSpec((RB, 1), lambda i: (i, 0)),
    ],
    out_shape=[
        jax.ShapeDtypeStruct((NP, D), jnp.float32),
        jax.ShapeDtypeStruct((NP, 1), jnp.float32),
    ],
)


def _tc2_body(a_ref, dis_ref, b_ref, w_ref, hs2_ref):
    a = a_ref[...]
    dis = dis_ref[...]
    out1 = (a[0] + a[1]) * dis + b_ref[...]
    h1 = jnp.maximum(out1, 0.0)
    h2 = jnp.dot(h1, w_ref[...], preferred_element_type=jnp.float32)
    hs2_ref[...] = h2 * dis


_tc2 = pl.pallas_call(
    _tc2_body,
    grid=(GRID,),
    in_specs=[
        pl.BlockSpec((NC, RB, D), lambda i: (0, i, 0)),
        pl.BlockSpec((RB, 1), lambda i: (i, 0)),
        pl.BlockSpec((1, D), lambda i: (0, 0)),
        pl.BlockSpec((D, D), lambda i: (0, 0)),
    ],
    out_specs=pl.BlockSpec((RB, D), lambda i: (i, 0)),
    out_shape=jax.ShapeDtypeStruct((NP, D), jnp.float32),
)


def _tc3_body(a_ref, dis_ref, b_ref, o_ref):
    a = a_ref[...]
    out = (a[0] + a[1]) * dis_ref[...] + b_ref[...]
    m = jnp.max(out, axis=1, keepdims=True)
    ex = jnp.exp(out - m)
    s = jnp.sum(ex, axis=1, keepdims=True)
    o_ref[...] = (out - m) - jnp.log(s)


_tc3 = pl.pallas_call(
    _tc3_body,
    grid=(GRID,),
    in_specs=[
        pl.BlockSpec((NC, RB, D), lambda i: (0, i, 0)),
        pl.BlockSpec((RB, 1), lambda i: (i, 0)),
        pl.BlockSpec((1, D), lambda i: (0, 0)),
    ],
    out_specs=pl.BlockSpec((RB, D), lambda i: (i, 0)),
    out_shape=jax.ShapeDtypeStruct((NP, D), jnp.float32),
)


def kernel(x, edge_index, W1, b1, W2, b2):
    ei = edge_index.astype(jnp.int32)
    srcp = jnp.pad(ei[0].reshape(NW, EPW),
                   ((0, 0), (0, (NCH + 2) * CH - EPW))).reshape(NW, NCH + 2, CH)
    dstp = jnp.pad(ei[1].reshape(NW, EPW),
                   ((0, 0), (0, NCH * CH - EPW)),
                   constant_values=DUMP).reshape(NW, NCH, CH)
    xp = jnp.pad(x, ((0, NP - N), (0, 0)))
    zero = jnp.zeros((ZR, D), jnp.float32)

    degp = _deg_kernel(dstp)
    hs1, dis = _tc1(xp, W1, degp[:, :, None])
    a1 = _agg_kernel(hs1, srcp, dstp, zero)
    hs2 = _tc2(a1, dis, b1.reshape(1, D), W2)
    a2 = _agg_kernel(hs2, srcp, dstp, zero)
    out = _tc3(a2, dis, b2.reshape(1, D))
    return out[:N]

# --- scband reference (transcript-rebuilt; emitter-appended) ---
"""Pipeline reference for scband-gcnv1-1571958030450 (READ-ONLY COPY).

The authoritative reference and input builder live on the scoring server;
editing this copy changes nothing except your own understanding.
"""

import jax, jax.numpy as jnp
import numpy as np

N_NODES = 10000
N_EDGES = 320000
IN_DIM = 128
HIDDEN_DIM = 128
OUT_DIM = 128


def setup_inputs(seed: int = 0) -> dict:
    key = jax.random.key(seed)
    k_x, k_e, k_w1, k_b1, k_w2, k_b2 = jax.random.split(key, 6)
    x = jax.random.normal(k_x, (N_NODES, IN_DIM), dtype=jnp.float32)
    edge_index = jax.random.randint(k_e, (2, N_EDGES), 0, N_NODES, dtype=jnp.int64)
    s1 = 1.0 / np.sqrt(IN_DIM)
    s2 = 1.0 / np.sqrt(HIDDEN_DIM)
    W1 = jax.random.uniform(k_w1, (IN_DIM, HIDDEN_DIM), minval=-s1, maxval=s1, dtype=jnp.float32)
    b1 = jnp.zeros((HIDDEN_DIM,), dtype=jnp.float32)
    W2 = jax.random.uniform(k_w2, (HIDDEN_DIM, OUT_DIM), minval=-s2, maxval=s2, dtype=jnp.float32)
    b2 = jnp.zeros((OUT_DIM,), dtype=jnp.float32)
    return {"x": x, "edge_index": edge_index, "W1": W1, "b1": b1, "W2": W2, "b2": b2}


def _gcn_conv(x, src, dst, W, b, n_nodes):
    # PyG GCNConv semantics: add self loops, symmetric normalization
    h = x @ W
    deg = jax.ops.segment_sum(jnp.ones_like(dst, dtype=h.dtype), dst, num_segments=n_nodes)
    deg_inv_sqrt = jnp.where(deg > 0, jax.lax.rsqrt(deg), 0.0)
    norm = deg_inv_sqrt[src] * deg_inv_sqrt[dst]
    msg = h[src] * norm[:, None]
    out = jax.ops.segment_sum(msg, dst, num_segments=n_nodes)
    return out + b


def reference(x, edge_index, W1, b1, W2, b2):
    n_nodes = x.shape[0]
    loop = jnp.arange(n_nodes, dtype=edge_index.dtype)
    src = jnp.concatenate([edge_index[0], loop])
    dst = jnp.concatenate([edge_index[1], loop])
    h = _gcn_conv(x, src, dst, W1, b1, n_nodes)
    h = jax.nn.relu(h)
    out = _gcn_conv(h, src, dst, W2, b2, n_nodes)
    return jax.nn.log_softmax(out, axis=1)

if __name__ == "__main__":
    import jax
    _d = setup_inputs()
    print(jax.jit(kernel)(*tuple(_d.values())))

</pallas_src>

<mosaic_0001>
#map = affine_map<(d0, d1) -> (0, 0)>
#map1 = affine_map<(d0, d1) -> (0, 0, 0)>
module attributes {stable_mosaic.version = 14 : i64} {
  func.func @_agg_kernel(%arg0: i32, %arg1: i32, %arg2: memref<10240x128xf32, #tpu.memory_space<hbm>>, %arg3: memref<32x82x128xi32, #tpu.memory_space<hbm>>, %arg4: memref<32x80x128xi32, #tpu.memory_space<hbm>>, %arg5: memref<640x128xf32, #tpu.memory_space<hbm>>, %arg6: memref<2x10240x128xf32, #tpu.memory_space<hbm>>, %arg7: memref<1x128xi32, #tpu.memory_space<vmem>>, %arg8: memref<1x128xi32, #tpu.memory_space<vmem>>, %arg9: memref<80x128xi32, #tpu.memory_space<vmem>>, %arg10: memref<128x128xf32, #tpu.memory_space<vmem>>, %arg11: memref<128x128xf32, #tpu.memory_space<vmem>>, %arg12: memref<10240x128xf32, #tpu.memory_space<vmem_shared>>, %arg13: memref<!tpu.dma_semaphore, #tpu.memory_space<semaphore_mem>>, %arg14: memref<!tpu.dma_semaphore, #tpu.memory_space<semaphore_mem>>, %arg15: memref<!tpu.dma_semaphore, #tpu.memory_space<semaphore_mem>>, %arg16: memref<!tpu.dma_semaphore, #tpu.memory_space<semaphore_mem>>, %arg17: memref<!tpu.dma_semaphore, #tpu.memory_space<semaphore_mem>>, %arg18: memref<!tpu.dma_semaphore, #tpu.memory_space<semaphore_mem>>) attributes {dimension_semantics = [#tpu.dimension_semantics<core_parallel>, #tpu.dimension_semantics<subcore_parallel>], iteration_bounds = array<i64: 2, 16>, scalar_prefetch = 0 : i64, scratch_operands = 12 : i64, tpu.core_type = #tpu.core_type<sc_vector_subcore>, window_params = [{transform_indices = #map}, {transform_indices = #map1}, {transform_indices = #map1}, {transform_indices = #map}, {transform_indices = #map1}]} {
    %mul3A = arith.constant 16 : i32
    %mul3A_0 = arith.muli %arg0, %mul3A : i32
    %add3A = arith.addi %mul3A_0, %arg1 : i32
    "tpu.region"() ({
      %run_scoped3A = tpu.sem_alloc : memref<!tpu.dma_semaphore, #tpu.memory_space<semaphore_mem>>
      %dma_start3A_59 = arith.constant 0 : i32
      %dma_start3A_60 = arith.constant 0 : i32
      %dma_start3A_61 = tpu.memref_slice %arg4[%add3A, %dma_start3A_59, %dma_start3A_60] : memref<32x80x128xi32, #tpu.memory_space<hbm>> -> memref<1x80x128xi32, #tpu.memory_space<hbm>>
      %dma_start3A_62 = tpu.memref_squeeze %dma_start3A_61 : memref<1x80x128xi32, #tpu.memory_space<hbm>> -> memref<80x128xi32, #tpu.memory_space<hbm>>
      %dma_start3A_63 = arith.constant 0 : i32
      %dma_start3A_64 = arith.constant 0 : i32
      %dma_start3A_65 = tpu.memref_slice %arg4[%add3A, %dma_start3A_63, %dma_start3A_64] : memref<32x80x128xi32, #tpu.memory_space<hbm>> -> memref<1x80x128xi32, #tpu.memory_space<hbm>>
      %dma_start3A_66 = tpu.memref_squeeze %dma_start3A_65 : memref<1x80x128xi32, #tpu.memory_space<hbm>> -> memref<80x128xi32, #tpu.memory_space<hbm>>
      tpu.enqueue_dma source(%dma_start3A_66 : memref<80x128xi32, #tpu.memory_space<hbm>>) target(%arg9 : memref<80x128xi32, #tpu.memory_space<vmem>>) target_semaphore(%run_scoped3A : memref<!tpu.dma_semaphore, #tpu.memory_space<semaphore_mem>>)
      %dma_wait3A_67 = arith.constant 0 : i32
      %dma_wait3A_68 = arith.constant 0 : i32
      %dma_wait3A_69 = tpu.memref_slice %arg4[%add3A, %dma_wait3A_67, %dma_wait3A_68] : memref<32x80x128xi32, #tpu.memory_space<hbm>> -> memref<1x80x128xi32, #tpu.memory_space<hbm>>
      %dma_wait3A_70 = tpu.memref_squeeze %dma_wait3A_69 : memref<1x80x128xi32, #tpu.memory_space<hbm>> -> memref<80x128xi32, #tpu.memory_space<hbm>>
      %dma_wait3A_71 = arith.constant 0 : i32
      %dma_wait3A_72 = arith.constant 0 : i32
      %dma_wait3A_73 = tpu.memref_slice %arg4[%add3A, %dma_wait3A_71, %dma_wait3A_72] : memref<32x80x128xi32, #tpu.memory_space<hbm>> -> memref<1x80x128xi32, #tpu.memory_space<hbm>>
      %dma_wait3A_74 = tpu.memref_squeeze %dma_wait3A_73 : memref<1x80x128xi32, #tpu.memory_space<hbm>> -> memref<80x128xi32, #tpu.memory_space<hbm>>
      tpu.wait_dma2 semaphore(%run_scoped3A : memref<!tpu.dma_semaphore, #tpu.memory_space<semaphore_mem>>) src(%dma_wait3A_74 : memref<80x128xi32, #tpu.memory_space<hbm>>) dst(%arg9 : memref<80x128xi32, #tpu.memory_space<vmem>>)
      tpu.yield
    }) : () -> ()
    %mul3A_1 = arith.constant 640 : i32
    %mul3A_2 = arith.muli %arg1, %mul3A_1 : i32
    %eq3A = arith.constant 0 : i32
    %eq3A_3 = arith.cmpi eq, %arg0, %eq3A : i32
    %convert_element_type3A = arith.extui %eq3A_3 : i1 to i32
    %cond3A = arith.constant 0 : i32
    %cond3A_4 = arith.cmpi ne, %convert_element_type3A, %cond3A : i32
    scf.if %cond3A_4 {
      "tpu.region"() ({
        %run_scoped3A = tpu.sem_alloc : memref<!tpu.dma_semaphore, #tpu.memory_space<semaphore_mem>>
        %dma_start3A_59 = arith.constant 0 : i32
        %dma_start3A_60 = tpu.memref_slice %arg12[%mul3A_2, %dma_start3A_59] : memref<10240x128xf32, #tpu.memory_space<vmem_shared>> -> memref<640x128xf32, #tpu.memory_space<vmem_shared>>
        %dma_start3A_61 = arith.constant 0 : i32
        %dma_start3A_62 = tpu.memref_slice %arg2[%mul3A_2, %dma_start3A_61] : memref<10240x128xf32, #tpu.memory_space<hbm>> -> memref<640x128xf32, #tpu.memory_space<hbm>>
        tpu.enqueue_dma source(%dma_start3A_62 : memref<640x128xf32, #tpu.memory_space<hbm>>) target(%dma_start3A_60 : memref<640x128xf32, #tpu.memory_space<vmem_shared>>) target_semaphore(%run_scoped3A : memref<!tpu.dma_semaphore, #tpu.memory_space<semaphore_mem>>)
        %dma_wait3A_63 = arith.constant 0 : i32
        %dma_wait3A_64 = tpu.memref_slice %arg12[%mul3A_2, %dma_wait3A_63] : memref<10240x128xf32, #tpu.memory_space<vmem_shared>> -> memref<640x128xf32, #tpu.memory_space<vmem_shared>>
        %dma_wait3A_65 = arith.constant 0 : i32
        %dma_wait3A_66 = tpu.memref_slice %arg2[%mul3A_2, %dma_wait3A_65] : memref<10240x128xf32, #tpu.memory_space<hbm>> -> memref<640x128xf32, #tpu.memory_space<hbm>>
        tpu.wait_dma2 semaphore(%run_scoped3A : memref<!tpu.dma_semaphore, #tpu.memory_space<semaphore_mem>>) src(%dma_wait3A_66 : memref<640x128xf32, #tpu.memory_space<hbm>>) dst(%dma_wait3A_64 : memref<640x128xf32, #tpu.memory_space<vmem_shared>>)
        tpu.yield
      }) : () -> ()
    } else {
    }
    %eq3A_5 = arith.constant 1 : i32
    %eq3A_6 = arith.cmpi eq, %arg0, %eq3A_5 : i32
    %convert_element_type3A_7 = arith.extui %eq3A_6 : i1 to i32
    %cond3A_8 = arith.constant 0 : i32
    %cond3A_9 = arith.cmpi ne, %convert_element_type3A_7, %cond3A_8 : i32
    scf.if %cond3A_9 {
      "tpu.region"() ({
        %run_scoped3A = tpu.sem_alloc : memref<!tpu.dma_semaphore, #tpu.memory_space<semaphore_mem>>
        %dma_start3A_59 = arith.constant 0 : i32
        %dma_start3A_60 = tpu.memref_slice %arg12[%mul3A_2, %dma_start3A_59] : memref<10240x128xf32, #tpu.memory_space<vmem_shared>> -> memref<640x128xf32, #tpu.memory_space<vmem_shared>>
        tpu.enqueue_dma source(%arg5 : memref<640x128xf32, #tpu.memory_space<hbm>>) target(%dma_start3A_60 : memref<640x128xf32, #tpu.memory_space<vmem_shared>>) target_semaphore(%run_scoped3A : memref<!tpu.dma_semaphore, #tpu.memory_space<semaphore_mem>>)
        %dma_wait3A_61 = arith.constant 0 : i32
        %dma_wait3A_62 = tpu.memref_slice %arg12[%mul3A_2, %dma_wait3A_61] : memref<10240x128xf32, #tpu.memory_space<vmem_shared>> -> memref<640x128xf32, #tpu.memory_space<vmem_shared>>
        tpu.wait_dma2 semaphore(%run_scoped3A : memref<!tpu.dma_semaphore, #tpu.memory_space<semaphore_mem>>) src(%arg5 : memref<640x128xf32, #tpu.memory_space<hbm>>) dst(%dma_wait3A_62 : memref<640x128xf32, #tpu.memory_space<vmem_shared>>)
        tpu.yield
      }) : () -> ()
    } else {
    }
    %barrier3A = arith.constant 0 : index
    tpu.barrier barrier_id(%barrier3A)
    %dma_start3A = arith.constant 0 : i32
    %dma_start3A_10 = arith.constant 0 : i32
    %dma_start3A_11 = tpu.memref_slice %arg3[%add3A, %dma_start3A, %dma_start3A_10] : memref<32x82x128xi32, #tpu.memory_space<hbm>> -> memref<1x1x128xi32, #tpu.memory_space<hbm>>
    %dma_start3A_12 = tpu.memref_squeeze %dma_start3A_11 : memref<1x1x128xi32, #tpu.memory_space<hbm>> -> memref<1x128xi32, #tpu.memory_space<hbm>>
    %dma_start3A_13 = arith.constant 0 : i32
    %dma_start3A_14 = arith.constant 0 : i32
    %dma_start3A_15 = tpu.memref_slice %arg3[%add3A, %dma_start3A_13, %dma_start3A_14] : memref<32x82x128xi32, #tpu.memory_space<hbm>> -> memref<1x1x128xi32, #tpu.memory_space<hbm>>
    %dma_start3A_16 = tpu.memref_squeeze %dma_start3A_15 : memref<1x1x128xi32, #tpu.memory_space<hbm>> -> memref<1x128xi32, #tpu.memory_space<hbm>>
    tpu.enqueue_dma source(%dma_start3A_16 : memref<1x128xi32, #tpu.memory_space<hbm>>) target(%arg7 : memref<1x128xi32, #tpu.memory_space<vmem>>) target_semaphore(%arg13 : memref<!tpu.dma_semaphore, #tpu.memory_space<semaphore_mem>>)
    %dma_start3A_17 = arith.constant 1 : i32
    %dma_start3A_18 = arith.constant 0 : i32
    %dma_start3A_19 = tpu.memref_slice %arg3[%add3A, %dma_start3A_17, %dma_start3A_18] : memref<32x82x128xi32, #tpu.memory_space<hbm>> -> memref<1x1x128xi32, #tpu.memory_space<hbm>>
    %dma_start3A_20 = tpu.memref_squeeze %dma_start3A_19 : memref<1x1x128xi32, #tpu.memory_space<hbm>> -> memref<1x128xi32, #tpu.memory_space<hbm>>
    %dma_start3A_21 = arith.constant 1 : i32
    %dma_start3A_22 = arith.constant 0 : i32
    %dma_start3A_23 = tpu.memref_slice %arg3[%add3A, %dma_start3A_21, %dma_start3A_22] : memref<32x82x128xi32, #tpu.memory_space<hbm>> -> memref<1x1x128xi32, #tpu.memory_space<hbm>>
    %dma_start3A_24 = tpu.memref_squeeze %dma_start3A_23 : memref<1x1x128xi32, #tpu.memory_space<hbm>> -> memref<1x128xi32, #tpu.memory_space<hbm>>
    tpu.enqueue_dma source(%dma_start3A_24 : memref<1x128xi32, #tpu.memory_space<hbm>>) target(%arg8 : memref<1x128xi32, #tpu.memory_space<vmem>>) target_semaphore(%arg14 : memref<!tpu.dma_semaphore, #tpu.memory_space<semaphore_mem>>)
    %dma_wait3A = arith.constant 0 : i32
    %dma_wait3A_25 = arith.constant 0 : i32
    %dma_wait3A_26 = tpu.memref_slice %arg3[%add3A, %dma_wait3A, %dma_wait3A_25] : memref<32x82x128xi32, #tpu.memory_space<hbm>> -> memref<1x1x128xi32, #tpu.memory_space<hbm>>
    %dma_wait3A_27 = tpu.memref_squeeze %dma_wait3A_26 : memref<1x1x128xi32, #tpu.memory_space<hbm>> -> memref<1x128xi32, #tpu.memory_space<hbm>>
    %dma_wait3A_28 = arith.constant 0 : i32
    %dma_wait3A_29 = arith.constant 0 : i32
    %dma_wait3A_30 = tpu.memref_slice %arg3[%add3A, %dma_wait3A_28, %dma_wait3A_29] : memref<32x82x128xi32, #tpu.memory_space<hbm>> -> memref<1x1x128xi32, #tpu.memory_space<hbm>>
    %dma_wait3A_31 = tpu.memref_squeeze %dma_wait3A_30 : memref<1x1x128xi32, #tpu.memory_space<hbm>> -> memref<1x128xi32, #tpu.memory_space<hbm>>
    tpu.wait_dma2 semaphore(%arg13 : memref<!tpu.dma_semaphore, #tpu.memory_space<semaphore_mem>>) src(%dma_wait3A_31 : memref<1x128xi32, #tpu.memory_space<hbm>>) dst(%arg7 : memref<1x128xi32, #tpu.memory_space<vmem>>)
    %dma_start3A_32 = arith.constant 0 : i32
    %dma_start3A_33 = arith.constant 0 : i32
    %dma_start3A_34 = tpu.memref_slice %arg7[%dma_start3A_32, %dma_start3A_33] : memref<1x128xi32, #tpu.memory_space<vmem>> -> memref<1x128xi32, #tpu.memory_space<vmem>>
    %dma_start3A_35 = tpu.memref_squeeze %dma_start3A_34 : memref<1x128xi32, #tpu.memory_space<vmem>> -> memref<128xi32, #tpu.memory_space<vmem>>
    %dma_start3A_36 = arith.constant 0 : i32
    %dma_start3A_37 = arith.constant 0 : i32
    %dma_start3A_38 = tpu.memref_slice %arg2[%dma_start3A_36, %dma_start3A_37] : memref<10240x128xf32, #tpu.memory_space<hbm>> -> memref<10240x128xf32, #tpu.memory_space<hbm>>
    tpu.enqueue_indirect_dma source(%dma_start3A_38 : memref<10240x128xf32, #tpu.memory_space<hbm>>) target(%arg10 : memref<128x128xf32, #tpu.memory_space<vmem>>) offsets(%dma_start3A_35 : memref<128xi32, #tpu.memory_space<vmem>>) semaphore(%arg15 : memref<!tpu.dma_semaphore, #tpu.memory_space<semaphore_mem>>)
    %dma_wait3A_39 = arith.constant 1 : i32
    %dma_wait3A_40 = arith.constant 0 : i32
    %dma_wait3A_41 = tpu.memref_slice %arg3[%add3A, %dma_wait3A_39, %dma_wait3A_40] : memref<32x82x128xi32, #tpu.memory_space<hbm>> -> memref<1x1x128xi32, #tpu.memory_space<hbm>>
    %dma_wait3A_42 = tpu.memref_squeeze %dma_wait3A_41 : memref<1x1x128xi32, #tpu.memory_space<hbm>> -> memref<1x128xi32, #tpu.memory_space<hbm>>
    %dma_wait3A_43 = arith.constant 1 : i32
    %dma_wait3A_44 = arith.constant 0 : i32
    %dma_wait3A_45 = tpu.memref_slice %arg3[%add3A, %dma_wait3A_43, %dma_wait3A_44] : memref<32x82x128xi32, #tpu.memory_space<hbm>> -> memref<1x1x128xi32, #tpu.memory_space<hbm>>
    %dma_wait3A_46 = tpu.memref_squeeze %dma_wait3A_45 : memref<1x1x128xi32, #tpu.memory_space<hbm>> -> memref<1x128xi32, #tpu.memory_space<hbm>>
    tpu.wait_dma2 semaphore(%arg14 : memref<!tpu.dma_semaphore, #tpu.memory_space<semaphore_mem>>) src(%dma_wait3A_46 : memref<1x128xi32, #tpu.memory_space<hbm>>) dst(%arg8 : memref<1x128xi32, #tpu.memory_space<vmem>>)
    %dma_start3A_47 = arith.constant 0 : i32
    %dma_start3A_48 = arith.constant 0 : i32
    %dma_start3A_49 = tpu.memref_slice %arg8[%dma_start3A_47, %dma_start3A_48] : memref<1x128xi32, #tpu.memory_space<vmem>> -> memref<1x128xi32, #tpu.memory_space<vmem>>
    %dma_start3A_50 = tpu.memref_squeeze %dma_start3A_49 : memref<1x128xi32, #tpu.memory_space<vmem>> -> memref<128xi32, #tpu.memory_space<vmem>>
    %dma_start3A_51 = arith.constant 0 : i32
    %dma_start3A_52 = arith.constant 0 : i32
    %dma_start3A_53 = tpu.memref_slice %arg2[%dma_start3A_51, %dma_start3A_52] : memref<10240x128xf32, #tpu.memory_space<hbm>> -> memref<10240x128xf32, #tpu.memory_space<hbm>>
    tpu.enqueue_indirect_dma source(%dma_start3A_53 : memref<10240x128xf32, #tpu.memory_space<hbm>>) target(%arg11 : memref<128x128xf32, #tpu.memory_space<vmem>>) offsets(%dma_start3A_50 : memref<128xi32, #tpu.memory_space<vmem>>) semaphore(%arg16 : memref<!tpu.dma_semaphore, #tpu.memory_space<semaphore_mem>>)
    %scan3A = arith.constant 0 : i32
    %scan3A_54 = arith.constant 40 : i32
    %scan3A_55 = arith.addi %scan3A, %scan3A_54 : i32
    %scan3A_56 = arith.constant 1 : i32
    scf.for %scan3A_59 = %scan3A to %scan3A_55 step %scan3A_56  : i32 {
      %mul3A_60 = arith.constant 2 : i32
      %mul3A_61 = arith.muli %scan3A_59, %mul3A_60 : i32
      %add3A_62 = arith.constant 0 : i32
      %add3A_63 = arith.addi %add3A_62, %mul3A_61 : i32
      %dma_wait3A_64 = arith.constant 0 : i32
      %dma_wait3A_65 = arith.constant 0 : i32
      %dma_wait3A_66 = tpu.memref_slice %arg7[%dma_wait3A_64, %dma_wait3A_65] : memref<1x128xi32, #tpu.memory_space<vmem>> -> memref<1x128xi32, #tpu.memory_space<vmem>>
      %dma_wait3A_67 = tpu.memref_squeeze %dma_wait3A_66 : memref<1x128xi32, #tpu.memory_space<vmem>> -> memref<128xi32, #tpu.memory_space<vmem>>
      %dma_wait3A_68 = arith.constant 0 : i32
      %dma_wait3A_69 = arith.constant 0 : i32
      %dma_wait3A_70 = tpu.memref_slice %arg2[%dma_wait3A_68, %dma_wait3A_69] : memref<10240x128xf32, #tpu.memory_space<hbm>> -> memref<10240x128xf32, #tpu.memory_space<hbm>>
      tpu.wait_indirect_dma semaphore(%arg15 : memref<!tpu.dma_semaphore, #tpu.memory_space<semaphore_mem>>) src(%dma_wait3A_70 : memref<10240x128xf32, #tpu.memory_space<hbm>>) dst(%arg10 : memref<128x128xf32, #tpu.memory_space<vmem>>)
      %add3A_71 = arith.constant 2 : i32
      %add3A_72 = arith.addi %add3A_63, %add3A_71 : i32
      %dma_start3A_73 = arith.constant 0 : i32
      %dma_start3A_74 = tpu.memref_slice %arg3[%add3A, %add3A_72, %dma_start3A_73] : memref<32x82x128xi32, #tpu.memory_space<hbm>> -> memref<1x1x128xi32, #tpu.memory_space<hbm>>
      %dma_start3A_75 = tpu.memref_squeeze %dma_start3A_74 : memref<1x1x128xi32, #tpu.memory_space<hbm>> -> memref<1x128xi32, #tpu.memory_space<hbm>>
      %dma_start3A_76 = arith.constant 0 : i32
      %dma_start3A_77 = tpu.memref_slice %arg3[%add3A, %add3A_72, %dma_start3A_76] : memref<32x82x128xi32, #tpu.memory_space<hbm>> -> memref<1x1x128xi32, #tpu.memory_space<hbm>>
      %dma_start3A_78 = tpu.memref_squeeze %dma_start3A_77 : memref<1x1x128xi32, #tpu.memory_space<hbm>> -> memref<1x128xi32, #tpu.memory_space<hbm>>
      tpu.enqueue_dma source(%dma_start3A_78 : memref<1x128xi32, #tpu.memory_space<hbm>>) target(%arg7 : memref<1x128xi32, #tpu.memory_space<vmem>>) target_semaphore(%arg13 : memref<!tpu.dma_semaphore, #tpu.memory_space<semaphore_mem>>)
      %dma_start3A_79 = arith.constant 0 : i32
      %dma_start3A_80 = tpu.memref_slice %arg9[%add3A_63, %dma_start3A_79] : memref<80x128xi32, #tpu.memory_space<vmem>> -> memref<1x128xi32, #tpu.memory_space<vmem>>
      %dma_start3A_81 = tpu.memref_squeeze %dma_start3A_80 : memref<1x128xi32, #tpu.memory_space<vmem>> -> memref<128xi32, #tpu.memory_space<vmem>>
      %dma_start3A_82 = arith.constant 0 : i32
      %dma_start3A_83 = arith.constant 0 : i32
      %dma_start3A_84 = tpu.memref_slice %arg12[%dma_start3A_82, %dma_start3A_83] : memref<10240x128xf32, #tpu.memory_space<vmem_shared>> -> memref<10240x128xf32, #tpu.memory_space<vmem_shared>>
      tpu.enqueue_indirect_dma source(%arg10 : memref<128x128xf32, #tpu.memory_space<vmem>>) target(%dma_start3A_84 : memref<10240x128xf32, #tpu.memory_space<vmem_shared>>) offsets(%dma_start3A_81 : memref<128xi32, #tpu.memory_space<vmem>>) semaphore(%arg17 : memref<!tpu.dma_semaphore, #tpu.memory_space<semaphore_mem>>) {add = true}
      %dma_wait3A_85 = arith.constant 0 : i32
      %dma_wait3A_86 = arith.constant 0 : i32
      %dma_wait3A_87 = tpu.memref_slice %arg8[%dma_wait3A_85, %dma_wait3A_86] : memref<1x128xi32, #tpu.memory_space<vmem>> -> memref<1x128xi32, #tpu.memory_space<vmem>>
      %dma_wait3A_88 = tpu.memref_squeeze %dma_wait3A_87 : memref<1x128xi32, #tpu.memory_space<vmem>> -> memref<128xi32, #tpu.memory_space<vmem>>
      %dma_wait3A_89 = arith.constant 0 : i32
      %dma_wait3A_90 = arith.constant 0 : i32
      %dma_wait3A_91 = tpu.memref_slice %arg2[%dma_wait3A_89, %dma_wait3A_90] : memref<10240x128xf32, #tpu.memory_space<hbm>> -> memref<10240x128xf32, #tpu.memory_space<hbm>>
      tpu.wait_indirect_dma semaphore(%arg16 : memref<!tpu.dma_semaphore, #tpu.memory_space<semaphore_mem>>) src(%dma_wait3A_91 : memref<10240x128xf32, #tpu.memory_space<hbm>>) dst(%arg11 : memref<128x128xf32, #tpu.memory_space<vmem>>)
      %add3A_92 = arith.constant 3 : i32
      %add3A_93 = arith.addi %add3A_63, %add3A_92 : i32
      %dma_start3A_94 = arith.constant 0 : i32
      %dma_start3A_95 = tpu.memref_slice %arg3[%add3A, %add3A_93, %dma_start3A_94] : memref<32x82x128xi32, #tpu.memory_space<hbm>> -> memref<1x1x128xi32, #tpu.memory_space<hbm>>
      %dma_start3A_96 = tpu.memref_squeeze %dma_start3A_95 : memref<1x1x128xi32, #tpu.memory_space<hbm>> -> memref<1x128xi32, #tpu.memory_space<hbm>>
      %dma_start3A_97 = arith.constant 0 : i32
      %dma_start3A_98 = tpu.memref_slice %arg3[%add3A, %add3A_93, %dma_start3A_97] : memref<32x82x128xi32, #tpu.memory_space<hbm>> -> memref<1x1x128xi32, #tpu.memory_space<hbm>>
      %dma_start3A_99 = tpu.memref_squeeze %dma_start3A_98 : memref<1x1x128xi32, #tpu.memory_space<hbm>> -> memref<1x128xi32, #tpu.memory_space<hbm>>
      tpu.enqueue_dma source(%dma_start3A_99 : memref<1x128xi32, #tpu.memory_space<hbm>>) target(%arg8 : memref<1x128xi32, #tpu.memory_space<vmem>>) target_semaphore(%arg14 : memref<!tpu.dma_semaphore, #tpu.memory_space<semaphore_mem>>)
      %add3A_100 = arith.constant 1 : i32
      %add3A_101 = arith.addi %add3A_63, %add3A_100 : i32
      %dma_start3A_102 = arith.constant 0 : i32
      %dma_start3A_103 = tpu.memref_slice %arg9[%add3A_101, %dma_start3A_102] : memref<80x128xi32, #tpu.memory_space<vmem>> -> memref<1x128xi32, #tpu.memory_space<vmem>>
      %dma_start3A_104 = tpu.memref_squeeze %dma_start3A_103 : memref<1x128xi32, #tpu.memory_space<vmem>> -> memref<128xi32, #tpu.memory_space<vmem>>
      %dma_start3A_105 = arith.constant 0 : i32
      %dma_start3A_106 = arith.constant 0 : i32
      %dma_start3A_107 = tpu.memref_slice %arg12[%dma_start3A_105, %dma_start3A_106] : memref<10240x128xf32, #tpu.memory_space<vmem_shared>> -> memref<10240x128xf32, #tpu.memory_space<vmem_shared>>
      tpu.enqueue_indirect_dma source(%arg11 : memref<128x128xf32, #tpu.memory_space<vmem>>) target(%dma_start3A_107 : memref<10240x128xf32, #tpu.memory_space<vmem_shared>>) offsets(%dma_start3A_104 : memref<128xi32, #tpu.memory_space<vmem>>) semaphore(%arg18 : memref<!tpu.dma_semaphore, #tpu.memory_space<semaphore_mem>>) {add = true}
      %dma_wait3A_108 = arith.constant 0 : i32
      %dma_wait3A_109 = tpu.memref_slice %arg9[%add3A_63, %dma_wait3A_108] : memref<80x128xi32, #tpu.memory_space<vmem>> -> memref<1x128xi32, #tpu.memory_space<vmem>>
      %dma_wait3A_110 = tpu.memref_squeeze %dma_wait3A_109 : memref<1x128xi32, #tpu.memory_space<vmem>> -> memref<128xi32, #tpu.memory_space<vmem>>
      %dma_wait3A_111 = arith.constant 0 : i32
      %dma_wait3A_112 = arith.constant 0 : i32
      %dma_wait3A_113 = tpu.memref_slice %arg12[%dma_wait3A_111, %dma_wait3A_112] : memref<10240x128xf32, #tpu.memory_space<vmem_shared>> -> memref<10240x128xf32, #tpu.memory_space<vmem_shared>>
      tpu.wait_indirect_dma semaphore(%arg17 : memref<!tpu.dma_semaphore, #tpu.memory_space<semaphore_mem>>) src(%arg10 : memref<128x128xf32, #tpu.memory_space<vmem>>) dst(%dma_wait3A_113 : memref<10240x128xf32, #tpu.memory_space<vmem_shared>>)
      %add3A_114 = arith.constant 2 : i32
      %add3A_115 = arith.addi %add3A_63, %add3A_114 : i32
      %dma_wait3A_116 = arith.constant 0 : i32
      %dma_wait3A_117 = tpu.memref_slice %arg3[%add3A, %add3A_115, %dma_wait3A_116] : memref<32x82x128xi32, #tpu.memory_space<hbm>> -> memref<1x1x128xi32, #tpu.memory_space<hbm>>
      %dma_wait3A_118 = tpu.memref_squeeze %dma_wait3A_117 : memref<1x1x128xi32, #tpu.memory_space<hbm>> -> memref<1x128xi32, #tpu.memory_space<hbm>>
      %dma_wait3A_119 = arith.constant 0 : i32
      %dma_wait3A_120 = tpu.memref_slice %arg3[%add3A, %add3A_115, %dma_wait3A_119] : memref<32x82x128xi32, #tpu.memory_space<hbm>> -> memref<1x1x128xi32, #tpu.memory_space<hbm>>
      %dma_wait3A_121 = tpu.memref_squeeze %dma_wait3A_120 : memref<1x1x128xi32, #tpu.memory_space<hbm>> -> memref<1x128xi32, #tpu.memory_space<hbm>>
      tpu.wait_dma2 semaphore(%arg13 : memref<!tpu.dma_semaphore, #tpu.memory_space<semaphore_mem>>) src(%dma_wait3A_121 : memref<1x128xi32, #tpu.memory_space<hbm>>) dst(%arg7 : memref<1x128xi32, #tpu.memory_space<vmem>>)
      %add3A_122 = arith.constant 2 : i32
      %add3A_123 = arith.addi %add3A_63, %add3A_122 : i32
      %lt3A = arith.constant 80 : i32
      %lt3A_124 = arith.cmpi slt, %add3A_123, %lt3A : i32
      %convert_element_type3A_125 = arith.extui %lt3A_124 : i1 to i32
      %cond3A_126 = arith.constant 0 : i32
      %cond3A_127 = arith.cmpi ne, %convert_element_type3A_125, %cond3A_126 : i32
      scf.if %cond3A_127 {
        %dma_start3A_151 = arith.constant 0 : i32
        %dma_start3A_152 = arith.constant 0 : i32
        %dma_start3A_153 = tpu.memref_slice %arg7[%dma_start3A_151, %dma_start3A_152] : memref<1x128xi32, #tpu.memory_space<vmem>> -> memref<1x128xi32, #tpu.memory_space<vmem>>
        %dma_start3A_154 = tpu.memref_squeeze %dma_start3A_153 : memref<1x128xi32, #tpu.memory_space<vmem>> -> memref<128xi32, #tpu.memory_space<vmem>>
        %dma_start3A_155 = arith.constant 0 : i32
        %dma_start3A_156 = arith.constant 0 : i32
        %dma_start3A_157 = tpu.memref_slice %arg2[%dma_start3A_155, %dma_start3A_156] : memref<10240x128xf32, #tpu.memory_space<hbm>> -> memref<10240x128xf32, #tpu.memory_space<hbm>>
        tpu.enqueue_indirect_dma source(%dma_start3A_157 : memref<10240x128xf32, #tpu.memory_space<hbm>>) target(%arg10 : memref<128x128xf32, #tpu.memory_space<vmem>>) offsets(%dma_start3A_154 : memref<128xi32, #tpu.memory_space<vmem>>) semaphore(%arg15 : memref<!tpu.dma_semaphore, #tpu.memory_space<semaphore_mem>>)
      } else {
      }
      %add3A_128 = arith.constant 1 : i32
      %add3A_129 = arith.addi %add3A_63, %add3A_128 : i32
      %dma_wait3A_130 = arith.constant 0 : i32
      %dma_wait3A_131 = tpu.memref_slice %arg9[%add3A_129, %dma_wait3A_130] : memref<80x128xi32, #tpu.memory_space<vmem>> -> memref<1x128xi32, #tpu.memory_space<vmem>>
      %dma_wait3A_132 = tpu.memref_squeeze %dma_wait3A_131 : memref<1x128xi32, #tpu.memory_space<vmem>> -> memref<128xi32, #tpu.memory_space<vmem>>
      %dma_wait3A_133 = arith.constant 0 : i32
      %dma_wait3A_134 = arith.constant 0 : i32
      %dma_wait3A_135 = tpu.memref_slice %arg12[%dma_wait3A_133, %dma_wait3A_134] : memref<10240x128xf32, #tpu.memory_space<vmem_shared>> -> memref<10240x128xf32, #tpu.memory_space<vmem_shared>>
      tpu.wait_indirect_dma semaphore(%arg18 : memref<!tpu.dma_semaphore, #tpu.memory_space<semaphore_mem>>) src(%arg11 : memref<128x128xf32, #tpu.memory_space<vmem>>) dst(%dma_wait3A_135 : memref<10240x128xf32, #tpu.memory_space<vmem_shared>>)
      %add3A_136 = arith.constant 3 : i32
      %add3A_137 = arith.addi %add3A_63, %add3A_136 : i32
      %dma_wait3A_138 = arith.constant 0 : i32
      %dma_wait3A_139 = tpu.memref_slice %arg3[%add3A, %add3A_137, %dma_wait3A_138] : memref<32x82x128xi32, #tpu.memory_space<hbm>> -> memref<1x1x128xi32, #tpu.memory_space<hbm>>
      %dma_wait3A_140 = tpu.memref_squeeze %dma_wait3A_139 : memref<1x1x128xi32, #tpu.memory_space<hbm>> -> memref<1x128xi32, #tpu.memory_space<hbm>>
      %dma_wait3A_141 = arith.constant 0 : i32
      %dma_wait3A_142 = tpu.memref_slice %arg3[%add3A, %add3A_137, %dma_wait3A_141] : memref<32x82x128xi32, #tpu.memory_space<hbm>> -> memref<1x1x128xi32, #tpu.memory_space<hbm>>
      %dma_wait3A_143 = tpu.memref_squeeze %dma_wait3A_142 : memref<1x1x128xi32, #tpu.memory_space<hbm>> -> memref<1x128xi32, #tpu.memory_space<hbm>>
      tpu.wait_dma2 semaphore(%arg14 : memref<!tpu.dma_semaphore, #tpu.memory_space<semaphore_mem>>) src(%dma_wait3A_143 : memref<1x128xi32, #tpu.memory_space<hbm>>) dst(%arg8 : memref<1x128xi32, #tpu.memory_space<vmem>>)
      %add3A_144 = arith.constant 3 : i32
      %add3A_145 = arith.addi %add3A_63, %add3A_144 : i32
      %lt3A_146 = arith.constant 80 : i32
      %lt3A_147 = arith.cmpi slt, %add3A_145, %lt3A_146 : i32
      %convert_element_type3A_148 = arith.extui %lt3A_147 : i1 to i32
      %cond3A_149 = arith.constant 0 : i32
      %cond3A_150 = arith.cmpi ne, %convert_element_type3A_148, %cond3A_149 : i32
      scf.if %cond3A_150 {
        %dma_start3A_151 = arith.constant 0 : i32
        %dma_start3A_152 = arith.constant 0 : i32
        %dma_start3A_153 = tpu.memref_slice %arg8[%dma_start3A_151, %dma_start3A_152] : memref<1x128xi32, #tpu.memory_space<vmem>> -> memref<1x128xi32, #tpu.memory_space<vmem>>
        %dma_start3A_154 = tpu.memref_squeeze %dma_start3A_153 : memref<1x128xi32, #tpu.memory_space<vmem>> -> memref<128xi32, #tpu.memory_space<vmem>>
        %dma_start3A_155 = arith.constant 0 : i32
        %dma_start3A_156 = arith.constant 0 : i32
        %dma_start3A_157 = tpu.memref_slice %arg2[%dma_start3A_155, %dma_start3A_156] : memref<10240x128xf32, #tpu.memory_space<hbm>> -> memref<10240x128xf32, #tpu.memory_space<hbm>>
        tpu.enqueue_indirect_dma source(%dma_start3A_157 : memref<10240x128xf32, #tpu.memory_space<hbm>>) target(%arg11 : memref<128x128xf32, #tpu.memory_space<vmem>>) offsets(%dma_start3A_154 : memref<128xi32, #tpu.memory_space<vmem>>) semaphore(%arg16 : memref<!tpu.dma_semaphore, #tpu.memory_space<semaphore_mem>>)
      } else {
      }
    }
    %scan3A_57 = arith.constant 40 : i32
    %barrier3A_58 = arith.constant 0 : index
    tpu.barrier barrier_id(%barrier3A_58)
    "tpu.region"() ({
      %run_scoped3A = tpu.sem_alloc : memref<!tpu.dma_semaphore, #tpu.memory_space<semaphore_mem>>
      %dma_start3A_59 = arith.constant 0 : i32
      %dma_start3A_60 = tpu.memref_slice %arg6[%arg0, %mul3A_2, %dma_start3A_59] : memref<2x10240x128xf32, #tpu.memory_space<hbm>> -> memref<1x640x128xf32, #tpu.memory_space<hbm>>
      %dma_start3A_61 = tpu.memref_squeeze %dma_start3A_60 : memref<1x640x128xf32, #tpu.memory_space<hbm>> -> memref<640x128xf32, #tpu.memory_space<hbm>>
      %dma_start3A_62 = arith.constant 0 : i32
      %dma_start3A_63 = tpu.memref_slice %arg12[%mul3A_2, %dma_start3A_62] : memref<10240x128xf32, #tpu.memory_space<vmem_shared>> -> memref<640x128xf32, #tpu.memory_space<vmem_shared>>
      tpu.enqueue_dma source(%dma_start3A_63 : memref<640x128xf32, #tpu.memory_space<vmem_shared>>) target(%dma_start3A_61 : memref<640x128xf32, #tpu.memory_space<hbm>>) target_semaphore(%run_scoped3A : memref<!tpu.dma_semaphore, #tpu.memory_space<semaphore_mem>>)
      %dma_wait3A_64 = arith.constant 0 : i32
      %dma_wait3A_65 = tpu.memref_slice %arg6[%arg0, %mul3A_2, %dma_wait3A_64] : memref<2x10240x128xf32, #tpu.memory_space<hbm>> -> memref<1x640x128xf32, #tpu.memory_space<hbm>>
      %dma_wait3A_66 = tpu.memref_squeeze %dma_wait3A_65 : memref<1x640x128xf32, #tpu.memory_space<hbm>> -> memref<640x128xf32, #tpu.memory_space<hbm>>
      %dma_wait3A_67 = arith.constant 0 : i32
      %dma_wait3A_68 = tpu.memref_slice %arg12[%mul3A_2, %dma_wait3A_67] : memref<10240x128xf32, #tpu.memory_space<vmem_shared>> -> memref<640x128xf32, #tpu.memory_space<vmem_shared>>
      tpu.wait_dma2 semaphore(%run_scoped3A : memref<!tpu.dma_semaphore, #tpu.memory_space<semaphore_mem>>) src(%dma_wait3A_68 : memref<640x128xf32, #tpu.memory_space<vmem_shared>>) dst(%dma_wait3A_66 : memref<640x128xf32, #tpu.memory_space<hbm>>)
      tpu.yield
    }) : () -> ()
    return
  }
}

#map = affine_map<(d0, d1) -> (0, 0, 0)>
#map1 = affine_map<(d0, d1) -> (0, 0)>
module attributes {stable_mosaic.version = 14 : i64} {
  func.func @_deg_kernel(%arg0: i32, %arg1: i32, %arg2: memref<32x80x128xi32, #tpu.memory_space<hbm>>, %arg3: memref<2x10240xf32, #tpu.memory_space<hbm>>, %arg4: memref<80x128xi32, #tpu.memory_space<vmem>>, %arg5: memref<128xf32, #tpu.memory_space<vmem>>, %arg6: memref<640xf32, #tpu.memory_space<vmem>>, %arg7: memref<10240xf32, #tpu.memory_space<vmem_shared>>) attributes {dimension_semantics = [#tpu.dimension_semantics<core_parallel>, #tpu.dimension_semantics<subcore_parallel>], iteration_bounds = array<i64: 2, 16>, scalar_prefetch = 0 : i64, scratch_operands = 4 : i64, tpu.core_type = #tpu.core_type<sc_vector_subcore>, window_params = [{transform_indices = #map}, {transform_indices = #map1}]} {
    %mul3A = arith.constant 16 : i32
    %mul3A_0 = arith.muli %arg0, %mul3A : i32
    %add3A = arith.addi %mul3A_0, %arg1 : i32
    "tpu.region"() ({
      %run_scoped3A = tpu.sem_alloc : memref<!tpu.dma_semaphore, #tpu.memory_space<semaphore_mem>>
      %dma_start3A = arith.constant 0 : i32
      %dma_start3A_204 = arith.constant 0 : i32
      %dma_start3A_205 = tpu.memref_slice %arg2[%add3A, %dma_start3A, %dma_start3A_204] : memref<32x80x128xi32, #tpu.memory_space<hbm>> -> memref<1x80x128xi32, #tpu.memory_space<hbm>>
      %dma_start3A_206 = tpu.memref_squeeze %dma_start3A_205 : memref<1x80x128xi32, #tpu.memory_space<hbm>> -> memref<80x128xi32, #tpu.memory_space<hbm>>
      %dma_start3A_207 = arith.constant 0 : i32
      %dma_start3A_208 = arith.constant 0 : i32
      %dma_start3A_209 = tpu.memref_slice %arg2[%add3A, %dma_start3A_207, %dma_start3A_208] : memref<32x80x128xi32, #tpu.memory_space<hbm>> -> memref<1x80x128xi32, #tpu.memory_space<hbm>>
      %dma_start3A_210 = tpu.memref_squeeze %dma_start3A_209 : memref<1x80x128xi32, #tpu.memory_space<hbm>> -> memref<80x128xi32, #tpu.memory_space<hbm>>
      tpu.enqueue_dma source(%dma_start3A_210 : memref<80x128xi32, #tpu.memory_space<hbm>>) target(%arg4 : memref<80x128xi32, #tpu.memory_space<vmem>>) target_semaphore(%run_scoped3A : memref<!tpu.dma_semaphore, #tpu.memory_space<semaphore_mem>>)
      %dma_wait3A = arith.constant 0 : i32
      %dma_wait3A_211 = arith.constant 0 : i32
      %dma_wait3A_212 = tpu.memref_slice %arg2[%add3A, %dma_wait3A, %dma_wait3A_211] : memref<32x80x128xi32, #tpu.memory_space<hbm>> -> memref<1x80x128xi32, #tpu.memory_space<hbm>>
      %dma_wait3A_213 = tpu.memref_squeeze %dma_wait3A_212 : memref<1x80x128xi32, #tpu.memory_space<hbm>> -> memref<80x128xi32, #tpu.memory_space<hbm>>
      %dma_wait3A_214 = arith.constant 0 : i32
      %dma_wait3A_215 = arith.constant 0 : i32
      %dma_wait3A_216 = tpu.memref_slice %arg2[%add3A, %dma_wait3A_214, %dma_wait3A_215] : memref<32x80x128xi32, #tpu.memory_space<hbm>> -> memref<1x80x128xi32, #tpu.memory_space<hbm>>
      %dma_wait3A_217 = tpu.memref_squeeze %dma_wait3A_216 : memref<1x80x128xi32, #tpu.memory_space<hbm>> -> memref<80x128xi32, #tpu.memory_space<hbm>>
      tpu.wait_dma2 semaphore(%run_scoped3A : memref<!tpu.dma_semaphore, #tpu.memory_space<semaphore_mem>>) src(%dma_wait3A_217 : memref<80x128xi32, #tpu.memory_space<hbm>>) dst(%arg4 : memref<80x128xi32, #tpu.memory_space<vmem>>)
      tpu.yield
    }) : () -> ()
    %broadcast_in_dim3A = arith.constant 1.000000e+00 : f32
    %broadcast_in_dim3A_1 = vector.broadcast %broadcast_in_dim3A : f32 to vector<16xf32>
    %broadcast_in_dim3A_2 = arith.constant 0.000000e+00 : f32
    %broadcast_in_dim3A_3 = vector.broadcast %broadcast_in_dim3A_2 : f32 to vector<16xf32>
    %swap3A = arith.constant 0 : index
    %swap3A_4 = tpu.vector_load %arg5[%swap3A] {strides = array<i32>} : memref<128xf32, #tpu.memory_space<vmem>>, vector<16xf32>,
    %swap3A_5 = vector.shape_cast %swap3A_4 : vector<16xf32> to vector<16xf32>
    %swap3A_6 = vector.shape_cast %broadcast_in_dim3A_1 : vector<16xf32> to vector<16xf32>
    tpu.vector_store %arg5[%swap3A], %swap3A_6 {strides = array<i32>} : memref<128xf32, #tpu.memory_space<vmem>>, vector<16xf32>,
    %swap3A_7 = arith.constant 16 : index
    %swap3A_8 = tpu.vector_load %arg5[%swap3A_7] {strides = array<i32>} : memref<128xf32, #tpu.memory_space<vmem>>, vector<16xf32>,
    %swap3A_9 = vector.shape_cast %swap3A_8 : vector<16xf32> to vector<16xf32>
    %swap3A_10 = vector.shape_cast %broadcast_in_dim3A_1 : vector<16xf32> to vector<16xf32>
    tpu.vector_store %arg5[%swap3A_7], %swap3A_10 {strides = array<i32>} : memref<128xf32, #tpu.memory_space<vmem>>, vector<16xf32>,
    %swap3A_11 = arith.constant 32 : index
    %swap3A_12 = tpu.vector_load %arg5[%swap3A_11] {strides = array<i32>} : memref<128xf32, #tpu.memory_space<vmem>>, vector<16xf32>,
    %swap3A_13 = vector.shape_cast %swap3A_12 : vector<16xf32> to vector<16xf32>
    %swap3A_14 = vector.shape_cast %broadcast_in_dim3A_1 : vector<16xf32> to vector<16xf32>
    tpu.vector_store %arg5[%swap3A_11], %swap3A_14 {strides = array<i32>} : memref<128xf32, #tpu.memory_space<vmem>>, vector<16xf32>,
    %swap3A_15 = arith.constant 48 : index
    %swap3A_16 = tpu.vector_load %arg5[%swap3A_15] {strides = array<i32>} : memref<128xf32, #tpu.memory_space<vmem>>, vector<16xf32>,
    %swap3A_17 = vector.shape_cast %swap3A_16 : vector<16xf32> to vector<16xf32>
    %swap3A_18 = vector.shape_cast %broadcast_in_dim3A_1 : vector<16xf32> to vector<16xf32>
    tpu.vector_store %arg5[%swap3A_15], %swap3A_18 {strides = array<i32>} : memref<128xf32, #tpu.memory_space<vmem>>, vector<16xf32>,
    %swap3A_19 = arith.constant 64 : index
    %swap3A_20 = tpu.vector_load %arg5[%swap3A_19] {strides = array<i32>} : memref<128xf32, #tpu.memory_space<vmem>>, vector<16xf32>,
    %swap3A_21 = vector.shape_cast %swap3A_20 : vector<16xf32> to vector<16xf32>
    %swap3A_22 = vector.shape_cast %broadcast_in_dim3A_1 : vector<16xf32> to vector<16xf32>
    tpu.vector_store %arg5[%swap3A_19], %swap3A_22 {strides = array<i32>} : memref<128xf32, #tpu.memory_space<vmem>>, vector<16xf32>,
    %swap3A_23 = arith.constant 80 : index
    %swap3A_24 = tpu.vector_load %arg5[%swap3A_23] {strides = array<i32>} : memref<128xf32, #tpu.memory_space<vmem>>, vector<16xf32>,
    %swap3A_25 = vector.shape_cast %swap3A_24 : vector<16xf32> to vector<16xf32>
    %swap3A_26 = vector.shape_cast %broadcast_in_dim3A_1 : vector<16xf32> to vector<16xf32>
    tpu.vector_store %arg5[%swap3A_23], %swap3A_26 {strides = array<i32>} : memref<128xf32, #tpu.memory_space<vmem>>, vector<16xf32>,
    %swap3A_27 = arith.constant 96 : index
    %swap3A_28 = tpu.vector_load %arg5[%swap3A_27] {strides = array<i32>} : memref<128xf32, #tpu.memory_space<vmem>>, vector<16xf32>,
    %swap3A_29 = vector.shape_cast %swap3A_28 : vector<16xf32> to vector<16xf32>
    %swap3A_30 = vector.shape_cast %broadcast_in_dim3A_1 : vector<16xf32> to vector<16xf32>
    tpu.vector_store %arg5[%swap3A_27], %swap3A_30 {strides = array<i32>} : memref<128xf32, #tpu.memory_space<vmem>>, vector<16xf32>,
    %swap3A_31 = arith.constant 112 : index
    %swap3A_32 = tpu.vector_load %arg5[%swap3A_31] {strides = array<i32>} : memref<128xf32, #tpu.memory_space<vmem>>, vector<16xf32>,
    %swap3A_33 = vector.shape_cast %swap3A_32 : vector<16xf32> to vector<16xf32>
    %swap3A_34 = vector.shape_cast %broadcast_in_dim3A_1 : vector<16xf32> to vector<16xf32>
    tpu.vector_store %arg5[%swap3A_31], %swap3A_34 {strides = array<i32>} : memref<128xf32, #tpu.memory_space<vmem>>, vector<16xf32>,
    %swap3A_35 = arith.constant 0 : index
    %swap3A_36 = tpu.vector_load %arg6[%swap3A_35] {strides = array<i32>} : memref<640xf32, #tpu.memory_space<vmem>>, vector<16xf32>,
    %swap3A_37 = vector.shape_cast %swap3A_36 : vector<16xf32> to vector<16xf32>
    %swap3A_38 = vector.shape_cast %broadcast_in_dim3A_3 : vector<16xf32> to vector<16xf32>
    tpu.vector_store %arg6[%swap3A_35], %swap3A_38 {strides = array<i32>} : memref<640xf32, #tpu.memory_space<vmem>>, vector<16xf32>,
    %swap3A_39 = arith.constant 16 : index
    %swap3A_40 = tpu.vector_load %arg6[%swap3A_39] {strides = array<i32>} : memref<640xf32, #tpu.memory_space<vmem>>, vector<16xf32>,
    %swap3A_41 = vector.shape_cast %swap3A_40 : vector<16xf32> to vector<16xf32>
    %swap3A_42 = vector.shape_cast %broadcast_in_dim3A_3 : vector<16xf32> to vector<16xf32>
    tpu.vector_store %arg6[%swap3A_39], %swap3A_42 {strides = array<i32>} : memref<640xf32, #tpu.memory_space<vmem>>, vector<16xf32>,
    %swap3A_43 = arith.constant 32 : index
    %swap3A_44 = tpu.vector_load %arg6[%swap3A_43] {strides = array<i32>} : memref<640xf32, #tpu.memory_space<vmem>>, vector<16xf32>,
    %swap3A_45 = vector.shape_cast %swap3A_44 : vector<16xf32> to vector<16xf32>
    %swap3A_46 = vector.shape_cast %broadcast_in_dim3A_3 : vector<16xf32> to vector<16xf32>
    tpu.vector_store %arg6[%swap3A_43], %swap3A_46 {strides = array<i32>} : memref<640xf32, #tpu.memory_space<vmem>>, vector<16xf32>,
    %swap3A_47 = arith.constant 48 : index
    %swap3A_48 = tpu.vector_load %arg6[%swap3A_47] {strides = array<i32>} : memref<640xf32, #tpu.memory_space<vmem>>, vector<16xf32>,
    %swap3A_49 = vector.shape_cast %swap3A_48 : vector<16xf32> to vector<16xf32>
    %swap3A_50 = vector.shape_cast %broadcast_in_dim3A_3 : vector<16xf32> to vector<16xf32>
    tpu.vector_store %arg6[%swap3A_47], %swap3A_50 {strides = array<i32>} : memref<640xf32, #tpu.memory_space<vmem>>, vector<16xf32>,
    %swap3A_51 = arith.constant 64 : index
    %swap3A_52 = tpu.vector_load %arg6[%swap3A_51] {strides = array<i32>} : memref<640xf32, #tpu.memory_space<vmem>>, vector<16xf32>,
    %swap3A_53 = vector.shape_cast %swap3A_52 : vector<16xf32> to vector<16xf32>
    %swap3A_54 = vector.shape_cast %broadcast_in_dim3A_3 : vector<16xf32> to vector<16xf32>
    tpu.vector_store %arg6[%swap3A_51], %swap3A_54 {strides = array<i32>} : memref<640xf32, #tpu.memory_space<vmem>>, vector<16xf32>,
    %swap3A_55 = arith.constant 80 : index
    %swap3A_56 = tpu.vector_load %arg6[%swap3A_55] {strides = array<i32>} : memref<640xf32, #tpu.memory_space<vmem>>, vector<16xf32>,
    %swap3A_57 = vector.shape_cast %swap3A_56 : vector<16xf32> to vector<16xf32>
    %swap3A_58 = vector.shape_cast %broadcast_in_dim3A_3 : vector<16xf32> to vector<16xf32>
    tpu.vector_store %arg6[%swap3A_55], %swap3A_58 {strides = array<i32>} : memref<640xf32, #tpu.memory_space<vmem>>, vector<16xf32>,
    %swap3A_59 = arith.constant 96 : index
    %swap3A_60 = tpu.vector_load %arg6[%swap3A_59] {strides = array<i32>} : memref<640xf32, #tpu.memory_space<vmem>>, vector<16xf32>,
    %swap3A_61 = vector.shape_cast %swap3A_60 : vector<16xf32> to vector<16xf32>
    %swap3A_62 = vector.shape_cast %broadcast_in_dim3A_3 : vector<16xf32> to vector<16xf32>
    tpu.vector_store %arg6[%swap3A_59], %swap3A_62 {strides = array<i32>} : memref<640xf32, #tpu.memory_space<vmem>>, vector<16xf32>,
    %swap3A_63 = arith.constant 112 : index
    %swap3A_64 = tpu.vector_load %arg6[%swap3A_63] {strides = array<i32>} : memref<640xf32, #tpu.memory_space<vmem>>, vector<16xf32>,
    %swap3A_65 = vector.shape_cast %swap3A_64 : vector<16xf32> to vector<16xf32>
    %swap3A_66 = vector.shape_cast %broadcast_in_dim3A_3 : vector<16xf32> to vector<16xf32>
    tpu.vector_store %arg6[%swap3A_63], %swap3A_66 {strides = array<i32>} : memref<640xf32, #tpu.memory_space<vmem>>, vector<16xf32>,
    %swap3A_67 = arith.constant 128 : index
    %swap3A_68 = tpu.vector_load %arg6[%swap3A_67] {strides = array<i32>} : memref<640xf32, #tpu.memory_space<vmem>>, vector<16xf32>,
    %swap3A_69 = vector.shape_cast %swap3A_68 : vector<16xf32> to vector<16xf32>
    %swap3A_70 = vector.shape_cast %broadcast_in_dim3A_3 : vector<16xf32> to vector<16xf32>
    tpu.vector_store %arg6[%swap3A_67], %swap3A_70 {strides = array<i32>} : memref<640xf32, #tpu.memory_space<vmem>>, vector<16xf32>,
    %swap3A_71 = arith.constant 144 : index
    %swap3A_72 = tpu.vector_load %arg6[%swap3A_71] {strides = array<i32>} : memref<640xf32, #tpu.memory_space<vmem>>, vector<16xf32>,
    %swap3A_73 = vector.shape_cast %swap3A_72 : vector<16xf32> to vector<16xf32>
    %swap3A_74 = vector.shape_cast %broadcast_in_dim3A_3 : vector<16xf32> to vector<16xf32>
    tpu.vector_store %arg6[%swap3A_71], %swap3A_74 {strides = array<i32>} : memref<640xf32, #tpu.memory_space<vmem>>, vector<16xf32>,
    %swap3A_75 = arith.constant 160 : index
    %swap3A_76 = tpu.vector_load %arg6[%swap3A_75] {strides = array<i32>} : memref<640xf32, #tpu.memory_space<vmem>>, vector<16xf32>,
    %swap3A_77 = vector.shape_cast %swap3A_76 : vector<16xf32> to vector<16xf32>
    %swap3A_78 = vector.shape_cast %broadcast_in_dim3A_3 : vector<16xf32> to vector<16xf32>
    tpu.vector_store %arg6[%swap3A_75], %swap3A_78 {strides = array<i32>} : memref<640xf32, #tpu.memory_space<vmem>>, vector<16xf32>,
    %swap3A_79 = arith.constant 176 : index
    %swap3A_80 = tpu.vector_load %arg6[%swap3A_79] {strides = array<i32>} : memref<640xf32, #tpu.memory_space<vmem>>, vector<16xf32>,
    %swap3A_81 = vector.shape_cast %swap3A_80 : vector<16xf32> to vector<16xf32>
    %swap3A_82 = vector.shape_cast %broadcast_in_dim3A_3 : vector<16xf32> to vector<16xf32>
    tpu.vector_store %arg6[%swap3A_79], %swap3A_82 {strides = array<i32>} : memref<640xf32, #tpu.memory_space<vmem>>, vector<16xf32>,
    %swap3A_83 = arith.constant 192 : index
    %swap3A_84 = tpu.vector_load %arg6[%swap3A_83] {strides = array<i32>} : memref<640xf32, #tpu.memory_space<vmem>>, vector<16xf32>,
    %swap3A_85 = vector.shape_cast %swap3A_84 : vector<16xf32> to vector<16xf32>
    %swap3A_86 = vector.shape_cast %broadcast_in_dim3A_3 : vector<16xf32> to vector<16xf32>
    tpu.vector_store %arg6[%swap3A_83], %swap3A_86 {strides = array<i32>} : memref<640xf32, #tpu.memory_space<vmem>>, vector<16xf32>,
    %swap3A_87 = arith.constant 208 : index
    %swap3A_88 = tpu.vector_load %arg6[%swap3A_87] {strides = array<i32>} : memref<640xf32, #tpu.memory_space<vmem>>, vector<16xf32>,
    %swap3A_89 = vector.shape_cast %swap3A_88 : vector<16xf32> to vector<16xf32>
    %swap3A_90 = vector.shape_cast %broadcast_in_dim3A_3 : vector<16xf32> to vector<16xf32>
    tpu.vector_store %arg6[%swap3A_87], %swap3A_90 {strides = array<i32>} : memref<640xf32, #tpu.memory_space<vmem>>, vector<16xf32>,
    %swap3A_91 = arith.constant 224 : index
    %swap3A_92 = tpu.vector_load %arg6[%swap3A_91] {strides = array<i32>} : memref<640xf32, #tpu.memory_space<vmem>>, vector<16xf32>,
    %swap3A_93 = vector.shape_cast %swap3A_92 : vector<16xf32> to vector<16xf32>
    %swap3A_94 = vector.shape_cast %broadcast_in_dim3A_3 : vector<16xf32> to vector<16xf32>
    tpu.vector_store %arg6[%swap3A_91], %swap3A_94 {strides = array<i32>} : memref<640xf32, #tpu.memory_space<vmem>>, vector<16xf32>,
    %swap3A_95 = arith.constant 240 : index
    %swap3A_96 = tpu.vector_load %arg6[%swap3A_95] {strides = array<i32>} : memref<640xf32, #tpu.memory_space<vmem>>, vector<16xf32>,
    %swap3A_97 = vector.shape_cast %swap3A_96 : vector<16xf32> to vector<16xf32>
    %swap3A_98 = vector.shape_cast %broadcast_in_dim3A_3 : vector<16xf32> to vector<16xf32>
    tpu.vector_store %arg6[%swap3A_95], %swap3A_98 {strides = array<i32>} : memref<640xf32, #tpu.memory_space<vmem>>, vector<16xf32>,
    %swap3A_99 = arith.constant 256 : index
    %swap3A_100 = tpu.vector_load %arg6[%swap3A_99] {strides = array<i32>} : memref<640xf32, #tpu.memory_space<vmem>>, vector<16xf32>,
    %swap3A_101 = vector.shape_cast %swap3A_100 : vector<16xf32> to vector<16xf32>
    %swap3A_102 = vector.shape_cast %broadcast_in_dim3A_3 : vector<16xf32> to vector<16xf32>
    tpu.vector_store %arg6[%swap3A_99], %swap3A_102 {strides = array<i32>} : memref<640xf32, #tpu.memory_space<vmem>>, vector<16xf32>,
    %swap3A_103 = arith.constant 272 : index
    %swap3A_104 = tpu.vector_load %arg6[%swap3A_103] {strides = array<i32>} : memref<640xf32, #tpu.memory_space<vmem>>, vector<16xf32>,
    %swap3A_105 = vector.shape_cast %swap3A_104 : vector<16xf32> to vector<16xf32>
    %swap3A_106 = vector.shape_cast %broadcast_in_dim3A_3 : vector<16xf32> to vector<16xf32>
    tpu.vector_store %arg6[%swap3A_103], %swap3A_106 {strides = array<i32>} : memref<640xf32, #tpu.memory_space<vmem>>, vector<16xf32>,
    %swap3A_107 = arith.constant 288 : index
    %swap3A_108 = tpu.vector_load %arg6[%swap3A_107] {strides = array<i32>} : memref<640xf32, #tpu.memory_space<vmem>>, vector<16xf32>,
    %swap3A_109 = vector.shape_cast %swap3A_108 : vector<16xf32> to vector<16xf32>
    %swap3A_110 = vector.shape_cast %broadcast_in_dim3A_3 : vector<16xf32> to vector<16xf32>
    tpu.vector_store %arg6[%swap3A_107], %swap3A_110 {strides = array<i32>} : memref<640xf32, #tpu.memory_space<vmem>>, vector<16xf32>,
    %swap3A_111 = arith.constant 304 : index
    %swap3A_112 = tpu.vector_load %arg6[%swap3A_111] {strides = array<i32>} : memref<640xf32, #tpu.memory_space<vmem>>, vector<16xf32>,
    %swap3A_113 = vector.shape_cast %swap3A_112 : vector<16xf32> to vector<16xf32>
    %swap3A_114 = vector.shape_cast %broadcast_in_dim3A_3 : vector<16xf32> to vector<16xf32>
    tpu.vector_store %arg6[%swap3A_111], %swap3A_114 {strides = array<i32>} : memref<640xf32, #tpu.memory_space<vmem>>, vector<16xf32>,
    %swap3A_115 = arith.constant 320 : index
    %swap3A_116 = tpu.vector_load %arg6[%swap3A_115] {strides = array<i32>} : memref<640xf32, #tpu.memory_space<vmem>>, vector<16xf32>,
    %swap3A_117 = vector.shape_cast %swap3A_116 : vector<16xf32> to vector<16xf32>
    %swap3A_118 = vector.shape_cast %broadcast_in_dim3A_3 : vector<16xf32> to vector<16xf32>
    tpu.vector_store %arg6[%swap3A_115], %swap3A_118 {strides = array<i32>} : memref<640xf32, #tpu.memory_space<vmem>>, vector<16xf32>,
    %swap3A_119 = arith.constant 336 : index
    %swap3A_120 = tpu.vector_load %arg6[%swap3A_119] {strides = array<i32>} : memref<640xf32, #tpu.memory_space<vmem>>, vector<16xf32>,
    %swap3A_121 = vector.shape_cast %swap3A_120 : vector<16xf32> to vector<16xf32>
    %swap3A_122 = vector.shape_cast %broadcast_in_dim3A_3 : vector<16xf32> to vector<16xf32>
    tpu.vector_store %arg6[%swap3A_119], %swap3A_122 {strides = array<i32>} : memref<640xf32, #tpu.memory_space<vmem>>, vector<16xf32>,
    %swap3A_123 = arith.constant 352 : index
    %swap3A_124 = tpu.vector_load %arg6[%swap3A_123] {strides = array<i32>} : memref<640xf32, #tpu.memory_space<vmem>>, vector<16xf32>,
    %swap3A_125 = vector.shape_cast %swap3A_124 : vector<16xf32> to vector<16xf32>
    %swap3A_126 = vector.shape_cast %broadcast_in_dim3A_3 : vector<16xf32> to vector<16xf32>
    tpu.vector_store %arg6[%swap3A_123], %swap3A_126 {strides = array<i32>} : memref<640xf32, #tpu.memory_space<vmem>>, vector<16xf32>,
    %swap3A_127 = arith.constant 368 : index
    %swap3A_128 = tpu.vector_load %arg6[%swap3A_127] {strides = array<i32>} : memref<640xf32, #tpu.memory_space<vmem>>, vector<16xf32>,
    %swap3A_129 = vector.shape_cast %swap3A_128 : vector<16xf32> to vector<16xf32>
    %swap3A_130 = vector.shape_cast %broadcast_in_dim3A_3 : vector<16xf32> to vector<16xf32>
    tpu.vector_store %arg6[%swap3A_127], %swap3A_130 {strides = array<i32>} : memref<640xf32, #tpu.memory_space<vmem>>, vector<16xf32>,
    %swap3A_131 = arith.constant 384 : index
    %swap3A_132 = tpu.vector_load %arg6[%swap3A_131] {strides = array<i32>} : memref<640xf32, #tpu.memory_space<vmem>>, vector<16xf32>,
    %swap3A_133 = vector.shape_cast %swap3A_132 : vector<16xf32> to vector<16xf32>
    %swap3A_134 = vector.shape_cast %broadcast_in_dim3A_3 : vector<16xf32> to vector<16xf32>
    tpu.vector_store %arg6[%swap3A_131], %swap3A_134 {strides = array<i32>} : memref<640xf32, #tpu.memory_space<vmem>>, vector<16xf32>,
    %swap3A_135 = arith.constant 400 : index
    %swap3A_136 = tpu.vector_load %arg6[%swap3A_135] {strides = array<i32>} : memref<640xf32, #tpu.memory_space<vmem>>, vector<16xf32>,
    %swap3A_137 = vector.shape_cast %swap3A_136 : vector<16xf32> to vector<16xf32>
    %swap3A_138 = vector.shape_cast %broadcast_in_dim3A_3 : vector<16xf32> to vector<16xf32>
    tpu.vector_store %arg6[%swap3A_135], %swap3A_138 {strides = array<i32>} : memref<640xf32, #tpu.memory_space<vmem>>, vector<16xf32>,
    %swap3A_139 = arith.constant 416 : index
    %swap3A_140 = tpu.vector_load %arg6[%swap3A_139] {strides = array<i32>} : memref<640xf32, #tpu.memory_space<vmem>>, vector<16xf32>,
    %swap3A_141 = vector.shape_cast %swap3A_140 : vector<16xf32> to vector<16xf32>
    %swap3A_142 = vector.shape_cast %broadcast_in_dim3A_3 : vector<16xf32> to vector<16xf32>
    tpu.vector_store %arg6[%swap3A_139], %swap3A_142 {strides = array<i32>} : memref<640xf32, #tpu.memory_space<vmem>>, vector<16xf32>,
    %swap3A_143 = arith.constant 432 : index
    %swap3A_144 = tpu.vector_load %arg6[%swap3A_143] {strides = array<i32>} : memref<640xf32, #tpu.memory_space<vmem>>, vector<16xf32>,
    %swap3A_145 = vector.shape_cast %swap3A_144 : vector<16xf32> to vector<16xf32>
    %swap3A_146 = vector.shape_cast %broadcast_in_dim3A_3 : vector<16xf32> to vector<16xf32>
    tpu.vector_store %arg6[%swap3A_143], %swap3A_146 {strides = array<i32>} : memref<640xf32, #tpu.memory_space<vmem>>, vector<16xf32>,
    %swap3A_147 = arith.constant 448 : index
    %swap3A_148 = tpu.vector_load %arg6[%swap3A_147] {strides = array<i32>} : memref<640xf32, #tpu.memory_space<vmem>>, vector<16xf32>,
    %swap3A_149 = vector.shape_cast %swap3A_148 : vector<16xf32> to vector<16xf32>
    %swap3A_150 = vector.shape_cast %broadcast_in_dim3A_3 : vector<16xf32> to vector<16xf32>
    tpu.vector_store %arg6[%swap3A_147], %swap3A_150 {strides = array<i32>} : memref<640xf32, #tpu.memory_space<vmem>>, vector<16xf32>,
    %swap3A_151 = arith.constant 464 : index
    %swap3A_152 = tpu.vector_load %arg6[%swap3A_151] {strides = array<i32>} : memref<640xf32, #tpu.memory_space<vmem>>, vector<16xf32>,
    %swap3A_153 = vector.shape_cast %swap3A_152 : vector<16xf32> to vector<16xf32>
    %swap3A_154 = vector.shape_cast %broadcast_in_dim3A_3 : vector<16xf32> to vector<16xf32>
    tpu.vector_store %arg6[%swap3A_151], %swap3A_154 {strides = array<i32>} : memref<640xf32, #tpu.memory_space<vmem>>, vector<16xf32>,
    %swap3A_155 = arith.constant 480 : index
    %swap3A_156 = tpu.vector_load %arg6[%swap3A_155] {strides = array<i32>} : memref<640xf32, #tpu.memory_space<vmem>>, vector<16xf32>,
    %swap3A_157 = vector.shape_cast %swap3A_156 : vector<16xf32> to vector<16xf32>
    %swap3A_158 = vector.shape_cast %broadcast_in_dim3A_3 : vector<16xf32> to vector<16xf32>
    tpu.vector_store %arg6[%swap3A_155], %swap3A_158 {strides = array<i32>} : memref<640xf32, #tpu.memory_space<vmem>>, vector<16xf32>,
    %swap3A_159 = arith.constant 496 : index
    %swap3A_160 = tpu.vector_load %arg6[%swap3A_159] {strides = array<i32>} : memref<640xf32, #tpu.memory_space<vmem>>, vector<16xf32>,
    %swap3A_161 = vector.shape_cast %swap3A_160 : vector<16xf32> to vector<16xf32>
    %swap3A_162 = vector.shape_cast %broadcast_in_dim3A_3 : vector<16xf32> to vector<16xf32>
    tpu.vector_store %arg6[%swap3A_159], %swap3A_162 {strides = array<i32>} : memref<640xf32, #tpu.memory_space<vmem>>, vector<16xf32>,
    %swap3A_163 = arith.constant 512 : index
    %swap3A_164 = tpu.vector_load %arg6[%swap3A_163] {strides = array<i32>} : memref<640xf32, #tpu.memory_space<vmem>>, vector<16xf32>,
    %swap3A_165 = vector.shape_cast %swap3A_164 : vector<16xf32> to vector<16xf32>
    %swap3A_166 = vector.shape_cast %broadcast_in_dim3A_3 : vector<16xf32> to vector<16xf32>
    tpu.vector_store %arg6[%swap3A_163], %swap3A_166 {strides = array<i32>} : memref<640xf32, #tpu.memory_space<vmem>>, vector<16xf32>,
    %swap3A_167 = arith.constant 528 : index
    %swap3A_168 = tpu.vector_load %arg6[%swap3A_167] {strides = array<i32>} : memref<640xf32, #tpu.memory_space<vmem>>, vector<16xf32>,
    %swap3A_169 = vector.shape_cast %swap3A_168 : vector<16xf32> to vector<16xf32>
    %swap3A_170 = vector.shape_cast %broadcast_in_dim3A_3 : vector<16xf32> to vector<16xf32>
    tpu.vector_store %arg6[%swap3A_167], %swap3A_170 {strides = array<i32>} : memref<640xf32, #tpu.memory_space<vmem>>, vector<16xf32>,
    %swap3A_171 = arith.constant 544 : index
    %swap3A_172 = tpu.vector_load %arg6[%swap3A_171] {strides = array<i32>} : memref<640xf32, #tpu.memory_space<vmem>>, vector<16xf32>,
    %swap3A_173 = vector.shape_cast %swap3A_172 : vector<16xf32> to vector<16xf32>
    %swap3A_174 = vector.shape_cast %broadcast_in_dim3A_3 : vector<16xf32> to vector<16xf32>
    tpu.vector_store %arg6[%swap3A_171], %swap3A_174 {strides = array<i32>} : memref<640xf32, #tpu.memory_space<vmem>>, vector<16xf32>,
    %swap3A_175 = arith.constant 560 : index
    %swap3A_176 = tpu.vector_load %arg6[%swap3A_175] {strides = array<i32>} : memref<640xf32, #tpu.memory_space<vmem>>, vector<16xf32>,
    %swap3A_177 = vector.shape_cast %swap3A_176 : vector<16xf32> to vector<16xf32>
    %swap3A_178 = vector.shape_cast %broadcast_in_dim3A_3 : vector<16xf32> to vector<16xf32>
    tpu.vector_store %arg6[%swap3A_175], %swap3A_178 {strides = array<i32>} : memref<640xf32, #tpu.memory_space<vmem>>, vector<16xf32>,
    %swap3A_179 = arith.constant 576 : index
    %swap3A_180 = tpu.vector_load %arg6[%swap3A_179] {strides = array<i32>} : memref<640xf32, #tpu.memory_space<vmem>>, vector<16xf32>,
    %swap3A_181 = vector.shape_cast %swap3A_180 : vector<16xf32> to vector<16xf32>
    %swap3A_182 = vector.shape_cast %broadcast_in_dim3A_3 : vector<16xf32> to vector<16xf32>
    tpu.vector_store %arg6[%swap3A_179], %swap3A_182 {strides = array<i32>} : memref<640xf32, #tpu.memory_space<vmem>>, vector<16xf32>,
    %swap3A_183 = arith.constant 592 : index
    %swap3A_184 = tpu.vector_load %arg6[%swap3A_183] {strides = array<i32>} : memref<640xf32, #tpu.memory_space<vmem>>, vector<16xf32>,
    %swap3A_185 = vector.shape_cast %swap3A_184 : vector<16xf32> to vector<16xf32>
    %swap3A_186 = vector.shape_cast %broadcast_in_dim3A_3 : vector<16xf32> to vector<16xf32>
    tpu.vector_store %arg6[%swap3A_183], %swap3A_186 {strides = array<i32>} : memref<640xf32, #tpu.memory_space<vmem>>, vector<16xf32>,
    %swap3A_187 = arith.constant 608 : index
    %swap3A_188 = tpu.vector_load %arg6[%swap3A_187] {strides = array<i32>} : memref<640xf32, #tpu.memory_space<vmem>>, vector<16xf32>,
    %swap3A_189 = vector.shape_cast %swap3A_188 : vector<16xf32> to vector<16xf32>
    %swap3A_190 = vector.shape_cast %broadcast_in_dim3A_3 : vector<16xf32> to vector<16xf32>
    tpu.vector_store %arg6[%swap3A_187], %swap3A_190 {strides = array<i32>} : memref<640xf32, #tpu.memory_space<vmem>>, vector<16xf32>,
    %swap3A_191 = arith.constant 624 : index
    %swap3A_192 = tpu.vector_load %arg6[%swap3A_191] {strides = array<i32>} : memref<640xf32, #tpu.memory_space<vmem>>, vector<16xf32>,
    %swap3A_193 = vector.shape_cast %swap3A_192 : vector<16xf32> to vector<16xf32>
    %swap3A_194 = vector.shape_cast %broadcast_in_dim3A_3 : vector<16xf32> to vector<16xf32>
    tpu.vector_store %arg6[%swap3A_191], %swap3A_194 {strides = array<i32>} : memref<640xf32, #tpu.memory_space<vmem>>, vector<16xf32>,
    %mul3A_195 = arith.constant 640 : i32
    %mul3A_196 = arith.muli %arg1, %mul3A_195 : i32
    "tpu.region"() ({
      %run_scoped3A = tpu.sem_alloc : memref<!tpu.dma_semaphore, #tpu.memory_space<semaphore_mem>>
      %dma_start3A = tpu.memref_slice %arg7[%mul3A_196] : memref<10240xf32, #tpu.memory_space<vmem_shared>> -> memref<640xf32, #tpu.memory_space<vmem_shared>>
      %dma_start3A_204 = tpu.memref_slice %arg7[%mul3A_196] : memref<10240xf32, #tpu.memory_space<vmem_shared>> -> memref<640xf32, #tpu.memory_space<vmem_shared>>
      tpu.enqueue_dma source(%arg6 : memref<640xf32, #tpu.memory_space<vmem>>) target(%dma_start3A_204 : memref<640xf32, #tpu.memory_space<vmem_shared>>) target_semaphore(%run_scoped3A : memref<!tpu.dma_semaphore, #tpu.memory_space<semaphore_mem>>)
      %dma_wait3A = tpu.memref_slice %arg7[%mul3A_196] : memref<10240xf32, #tpu.memory_space<vmem_shared>> -> memref<640xf32, #tpu.memory_space<vmem_shared>>
      %dma_wait3A_205 = tpu.memref_slice %arg7[%mul3A_196] : memref<10240xf32, #tpu.memory_space<vmem_shared>> -> memref<640xf32, #tpu.memory_space<vmem_shared>>
      tpu.wait_dma2 semaphore(%run_scoped3A : memref<!tpu.dma_semaphore, #tpu.memory_space<semaphore_mem>>) src(%arg6 : memref<640xf32, #tpu.memory_space<vmem>>) dst(%dma_wait3A_205 : memref<640xf32, #tpu.memory_space<vmem_shared>>)
      tpu.yield
    }) : () -> ()
    %barrier3A = arith.constant 0 : index
    tpu.barrier barrier_id(%barrier3A)
    %scan3A = arith.constant 0 : i32
    %scan3A_197 = arith.constant 80 : i32
    %scan3A_198 = arith.addi %scan3A, %scan3A_197 : i32
    %scan3A_199 = arith.constant 1 : i32
    scf.for %scan3A_204 = %scan3A to %scan3A_198 step %scan3A_199  : i32 {
      %mul3A_205 = arith.constant 1 : i32
      %mul3A_206 = arith.muli %scan3A_204, %mul3A_205 : i32
      %add3A_207 = arith.constant 0 : i32
      %add3A_208 = arith.addi %add3A_207, %mul3A_206 : i32
      "tpu.region"() ({
        %run_scoped3A = tpu.sem_alloc : memref<!tpu.dma_semaphore, #tpu.memory_space<semaphore_mem>>
        %dma_start3A = arith.constant 0 : i32
        %dma_start3A_209 = tpu.memref_slice %arg4[%add3A_208, %dma_start3A] : memref<80x128xi32, #tpu.memory_space<vmem>> -> memref<1x128xi32, #tpu.memory_space<vmem>>
        %dma_start3A_210 = tpu.memref_squeeze %dma_start3A_209 : memref<1x128xi32, #tpu.memory_space<vmem>> -> memref<128xi32, #tpu.memory_space<vmem>>
        %dma_start3A_211 = arith.constant 0 : i32
        %dma_start3A_212 = tpu.memref_slice %arg7[%dma_start3A_211] : memref<10240xf32, #tpu.memory_space<vmem_shared>> -> memref<10240xf32, #tpu.memory_space<vmem_shared>>
        tpu.enqueue_indirect_dma source(%arg5 : memref<128xf32, #tpu.memory_space<vmem>>) target(%dma_start3A_212 : memref<10240xf32, #tpu.memory_space<vmem_shared>>) offsets(%dma_start3A_210 : memref<128xi32, #tpu.memory_space<vmem>>) semaphore(%run_scoped3A : memref<!tpu.dma_semaphore, #tpu.memory_space<semaphore_mem>>) {add = true}
        %dma_wait3A = arith.constant 0 : i32
        %dma_wait3A_213 = tpu.memref_slice %arg4[%add3A_208, %dma_wait3A] : memref<80x128xi32, #tpu.memory_space<vmem>> -> memref<1x128xi32, #tpu.memory_space<vmem>>
        %dma_wait3A_214 = tpu.memref_squeeze %dma_wait3A_213 : memref<1x128xi32, #tpu.memory_space<vmem>> -> memref<128xi32, #tpu.memory_space<vmem>>
        %dma_wait3A_215 = arith.constant 0 : i32
        %dma_wait3A_216 = tpu.memref_slice %arg7[%dma_wait3A_215] : memref<10240xf32, #tpu.memory_space<vmem_shared>> -> memref<10240xf32, #tpu.memory_space<vmem_shared>>
        tpu.wait_indirect_dma semaphore(%run_scoped3A : memref<!tpu.dma_semaphore, #tpu.memory_space<semaphore_mem>>) src(%arg5 : memref<128xf32, #tpu.memory_space<vmem>>) dst(%dma_wait3A_216 : memref<10240xf32, #tpu.memory_space<vmem_shared>>)
        tpu.yield
      }) : () -> ()
    }
    %scan3A_200 = arith.constant 80 : i32
    %barrier3A_201 = arith.constant 0 : index
    tpu.barrier barrier_id(%barrier3A_201)
    %eq3A = arith.constant 0 : i32
    %eq3A_202 = arith.cmpi eq, %arg1, %eq3A : i32
    %convert_element_type3A = arith.extui %eq3A_202 : i1 to i32
    %cond3A = arith.constant 0 : i32
    %cond3A_203 = arith.cmpi ne, %convert_element_type3A, %cond3A : i32
    scf.if %cond3A_203 {
      "tpu.region"() ({
        %run_scoped3A = tpu.sem_alloc : memref<!tpu.dma_semaphore, #tpu.memory_space<semaphore_mem>>
        %dma_start3A = arith.constant 0 : i32
        %dma_start3A_204 = tpu.memref_slice %arg3[%arg0, %dma_start3A] : memref<2x10240xf32, #tpu.memory_space<hbm>> -> memref<1x10240xf32, #tpu.memory_space<hbm>>
        %dma_start3A_205 = tpu.memref_squeeze %dma_start3A_204 : memref<1x10240xf32, #tpu.memory_space<hbm>> -> memref<10240xf32, #tpu.memory_space<hbm>>
        tpu.enqueue_dma source(%arg7 : memref<10240xf32, #tpu.memory_space<vmem_shared>>) target(%dma_start3A_205 : memref<10240xf32, #tpu.memory_space<hbm>>) target_semaphore(%run_scoped3A : memref<!tpu.dma_semaphore, #tpu.memory_space<semaphore_mem>>)
        %dma_wait3A = arith.constant 0 : i32
        %dma_wait3A_206 = tpu.memref_slice %arg3[%arg0, %dma_wait3A] : memref<2x10240xf32, #tpu.memory_space<hbm>> -> memref<1x10240xf32, #tpu.memory_space<hbm>>
        %dma_wait3A_207 = tpu.memref_squeeze %dma_wait3A_206 : memref<1x10240xf32, #tpu.memory_space<hbm>> -> memref<10240xf32, #tpu.memory_space<hbm>>
        tpu.wait_dma2 semaphore(%run_scoped3A : memref<!tpu.dma_semaphore, #tpu.memory_space<semaphore_mem>>) src(%arg7 : memref<10240xf32, #tpu.memory_space<vmem_shared>>) dst(%dma_wait3A_207 : memref<10240xf32, #tpu.memory_space<hbm>>)
        tpu.yield
      }) : () -> ()
    } else {
    }
    return
  }
}

#map = affine_map<(d0, d1) -> (0, 0)>
#map1 = affine_map<(d0, d1) -> (0, 0, 0)>
module attributes {stable_mosaic.version = 14 : i64} {
  func.func @_agg_kernel(%arg0: i32, %arg1: i32, %arg2: memref<10240x128xf32, #tpu.memory_space<hbm>>, %arg3: memref<32x82x128xi32, #tpu.memory_space<hbm>>, %arg4: memref<32x80x128xi32, #tpu.memory_space<hbm>>, %arg5: memref<640x128xf32, #tpu.memory_space<hbm>>, %arg6: memref<2x10240x128xf32, #tpu.memory_space<hbm>>, %arg7: memref<1x128xi32, #tpu.memory_space<vmem>>, %arg8: memref<1x128xi32, #tpu.memory_space<vmem>>, %arg9: memref<80x128xi32, #tpu.memory_space<vmem>>, %arg10: memref<128x128xf32, #tpu.memory_space<vmem>>, %arg11: memref<128x128xf32, #tpu.memory_space<vmem>>, %arg12: memref<10240x128xf32, #tpu.memory_space<vmem_shared>>, %arg13: memref<!tpu.dma_semaphore, #tpu.memory_space<semaphore_mem>>, %arg14: memref<!tpu.dma_semaphore, #tpu.memory_space<semaphore_mem>>, %arg15: memref<!tpu.dma_semaphore, #tpu.memory_space<semaphore_mem>>, %arg16: memref<!tpu.dma_semaphore, #tpu.memory_space<semaphore_mem>>, %arg17: memref<!tpu.dma_semaphore, #tpu.memory_space<semaphore_mem>>, %arg18: memref<!tpu.dma_semaphore, #tpu.memory_space<semaphore_mem>>) attributes {dimension_semantics = [#tpu.dimension_semantics<core_parallel>, #tpu.dimension_semantics<subcore_parallel>], iteration_bounds = array<i64: 2, 16>, scalar_prefetch = 0 : i64, scratch_operands = 12 : i64, tpu.core_type = #tpu.core_type<sc_vector_subcore>, window_params = [{transform_indices = #map}, {transform_indices = #map1}, {transform_indices = #map1}, {transform_indices = #map}, {transform_indices = #map1}]} {
    %mul3A = arith.constant 16 : i32
    %mul3A_0 = arith.muli %arg0, %mul3A : i32
    %add3A = arith.addi %mul3A_0, %arg1 : i32
    "tpu.region"() ({
      %run_scoped3A = tpu.sem_alloc : memref<!tpu.dma_semaphore, #tpu.memory_space<semaphore_mem>>
      %dma_start3A_59 = arith.constant 0 : i32
      %dma_start3A_60 = arith.constant 0 : i32
      %dma_start3A_61 = tpu.memref_slice %arg4[%add3A, %dma_start3A_59, %dma_start3A_60] : memref<32x80x128xi32, #tpu.memory_space<hbm>> -> memref<1x80x128xi32, #tpu.memory_space<hbm>>
      %dma_start3A_62 = tpu.memref_squeeze %dma_start3A_61 : memref<1x80x128xi32, #tpu.memory_space<hbm>> -> memref<80x128xi32, #tpu.memory_space<hbm>>
      %dma_start3A_63 = arith.constant 0 : i32
      %dma_start3A_64 = arith.constant 0 : i32
      %dma_start3A_65 = tpu.memref_slice %arg4[%add3A, %dma_start3A_63, %dma_start3A_64] : memref<32x80x128xi32, #tpu.memory_space<hbm>> -> memref<1x80x128xi32, #tpu.memory_space<hbm>>
      %dma_start3A_66 = tpu.memref_squeeze %dma_start3A_65 : memref<1x80x128xi32, #tpu.memory_space<hbm>> -> memref<80x128xi32, #tpu.memory_space<hbm>>
      tpu.enqueue_dma source(%dma_start3A_66 : memref<80x128xi32, #tpu.memory_space<hbm>>) target(%arg9 : memref<80x128xi32, #tpu.memory_space<vmem>>) target_semaphore(%run_scoped3A : memref<!tpu.dma_semaphore, #tpu.memory_space<semaphore_mem>>)
      %dma_wait3A_67 = arith.constant 0 : i32
      %dma_wait3A_68 = arith.constant 0 : i32
      %dma_wait3A_69 = tpu.memref_slice %arg4[%add3A, %dma_wait3A_67, %dma_wait3A_68] : memref<32x80x128xi32, #tpu.memory_space<hbm>> -> memref<1x80x128xi32, #tpu.memory_space<hbm>>
      %dma_wait3A_70 = tpu.memref_squeeze %dma_wait3A_69 : memref<1x80x128xi32, #tpu.memory_space<hbm>> -> memref<80x128xi32, #tpu.memory_space<hbm>>
      %dma_wait3A_71 = arith.constant 0 : i32
      %dma_wait3A_72 = arith.constant 0 : i32
      %dma_wait3A_73 = tpu.memref_slice %arg4[%add3A, %dma_wait3A_71, %dma_wait3A_72] : memref<32x80x128xi32, #tpu.memory_space<hbm>> -> memref<1x80x128xi32, #tpu.memory_space<hbm>>
      %dma_wait3A_74 = tpu.memref_squeeze %dma_wait3A_73 : memref<1x80x128xi32, #tpu.memory_space<hbm>> -> memref<80x128xi32, #tpu.memory_space<hbm>>
      tpu.wait_dma2 semaphore(%run_scoped3A : memref<!tpu.dma_semaphore, #tpu.memory_space<semaphore_mem>>) src(%dma_wait3A_74 : memref<80x128xi32, #tpu.memory_space<hbm>>) dst(%arg9 : memref<80x128xi32, #tpu.memory_space<vmem>>)
      tpu.yield
    }) : () -> ()
    %mul3A_1 = arith.constant 640 : i32
    %mul3A_2 = arith.muli %arg1, %mul3A_1 : i32
    %eq3A = arith.constant 0 : i32
    %eq3A_3 = arith.cmpi eq, %arg0, %eq3A : i32
    %convert_element_type3A = arith.extui %eq3A_3 : i1 to i32
    %cond3A = arith.constant 0 : i32
    %cond3A_4 = arith.cmpi ne, %convert_element_type3A, %cond3A : i32
    scf.if %cond3A_4 {
      "tpu.region"() ({
        %run_scoped3A = tpu.sem_alloc : memref<!tpu.dma_semaphore, #tpu.memory_space<semaphore_mem>>
        %dma_start3A_59 = arith.constant 0 : i32
        %dma_start3A_60 = tpu.memref_slice %arg12[%mul3A_2, %dma_start3A_59] : memref<10240x128xf32, #tpu.memory_space<vmem_shared>> -> memref<640x128xf32, #tpu.memory_space<vmem_shared>>
        %dma_start3A_61 = arith.constant 0 : i32
        %dma_start3A_62 = tpu.memref_slice %arg2[%mul3A_2, %dma_start3A_61] : memref<10240x128xf32, #tpu.memory_space<hbm>> -> memref<640x128xf32, #tpu.memory_space<hbm>>
        tpu.enqueue_dma source(%dma_start3A_62 : memref<640x128xf32, #tpu.memory_space<hbm>>) target(%dma_start3A_60 : memref<640x128xf32, #tpu.memory_space<vmem_shared>>) target_semaphore(%run_scoped3A : memref<!tpu.dma_semaphore, #tpu.memory_space<semaphore_mem>>)
        %dma_wait3A_63 = arith.constant 0 : i32
        %dma_wait3A_64 = tpu.memref_slice %arg12[%mul3A_2, %dma_wait3A_63] : memref<10240x128xf32, #tpu.memory_space<vmem_shared>> -> memref<640x128xf32, #tpu.memory_space<vmem_shared>>
        %dma_wait3A_65 = arith.constant 0 : i32
        %dma_wait3A_66 = tpu.memref_slice %arg2[%mul3A_2, %dma_wait3A_65] : memref<10240x128xf32, #tpu.memory_space<hbm>> -> memref<640x128xf32, #tpu.memory_space<hbm>>
        tpu.wait_dma2 semaphore(%run_scoped3A : memref<!tpu.dma_semaphore, #tpu.memory_space<semaphore_mem>>) src(%dma_wait3A_66 : memref<640x128xf32, #tpu.memory_space<hbm>>) dst(%dma_wait3A_64 : memref<640x128xf32, #tpu.memory_space<vmem_shared>>)
        tpu.yield
      }) : () -> ()
    } else {
    }
    %eq3A_5 = arith.constant 1 : i32
    %eq3A_6 = arith.cmpi eq, %arg0, %eq3A_5 : i32
    %convert_element_type3A_7 = arith.extui %eq3A_6 : i1 to i32
    %cond3A_8 = arith.constant 0 : i32
    %cond3A_9 = arith.cmpi ne, %convert_element_type3A_7, %cond3A_8 : i32
    scf.if %cond3A_9 {
      "tpu.region"() ({
        %run_scoped3A = tpu.sem_alloc : memref<!tpu.dma_semaphore, #tpu.memory_space<semaphore_mem>>
        %dma_start3A_59 = arith.constant 0 : i32
        %dma_start3A_60 = tpu.memref_slice %arg12[%mul3A_2, %dma_start3A_59] : memref<10240x128xf32, #tpu.memory_space<vmem_shared>> -> memref<640x128xf32, #tpu.memory_space<vmem_shared>>
        tpu.enqueue_dma source(%arg5 : memref<640x128xf32, #tpu.memory_space<hbm>>) target(%dma_start3A_60 : memref<640x128xf32, #tpu.memory_space<vmem_shared>>) target_semaphore(%run_scoped3A : memref<!tpu.dma_semaphore, #tpu.memory_space<semaphore_mem>>)
        %dma_wait3A_61 = arith.constant 0 : i32
        %dma_wait3A_62 = tpu.memref_slice %arg12[%mul3A_2, %dma_wait3A_61] : memref<10240x128xf32, #tpu.memory_space<vmem_shared>> -> memref<640x128xf32, #tpu.memory_space<vmem_shared>>
        tpu.wait_dma2 semaphore(%run_scoped3A : memref<!tpu.dma_semaphore, #tpu.memory_space<semaphore_mem>>) src(%arg5 : memref<640x128xf32, #tpu.memory_space<hbm>>) dst(%dma_wait3A_62 : memref<640x128xf32, #tpu.memory_space<vmem_shared>>)
        tpu.yield
      }) : () -> ()
    } else {
    }
    %barrier3A = arith.constant 0 : index
    tpu.barrier barrier_id(%barrier3A)
    %dma_start3A = arith.constant 0 : i32
    %dma_start3A_10 = arith.constant 0 : i32
    %dma_start3A_11 = tpu.memref_slice %arg3[%add3A, %dma_start3A, %dma_start3A_10] : memref<32x82x128xi32, #tpu.memory_space<hbm>> -> memref<1x1x128xi32, #tpu.memory_space<hbm>>
    %dma_start3A_12 = tpu.memref_squeeze %dma_start3A_11 : memref<1x1x128xi32, #tpu.memory_space<hbm>> -> memref<1x128xi32, #tpu.memory_space<hbm>>
    %dma_start3A_13 = arith.constant 0 : i32
    %dma_start3A_14 = arith.constant 0 : i32
    %dma_start3A_15 = tpu.memref_slice %arg3[%add3A, %dma_start3A_13, %dma_start3A_14] : memref<32x82x128xi32, #tpu.memory_space<hbm>> -> memref<1x1x128xi32, #tpu.memory_space<hbm>>
    %dma_start3A_16 = tpu.memref_squeeze %dma_start3A_15 : memref<1x1x128xi32, #tpu.memory_space<hbm>> -> memref<1x128xi32, #tpu.memory_space<hbm>>
    tpu.enqueue_dma source(%dma_start3A_16 : memref<1x128xi32, #tpu.memory_space<hbm>>) target(%arg7 : memref<1x128xi32, #tpu.memory_space<vmem>>) target_semaphore(%arg13 : memref<!tpu.dma_semaphore, #tpu.memory_space<semaphore_mem>>)
    %dma_start3A_17 = arith.constant 1 : i32
    %dma_start3A_18 = arith.constant 0 : i32
    %dma_start3A_19 = tpu.memref_slice %arg3[%add3A, %dma_start3A_17, %dma_start3A_18] : memref<32x82x128xi32, #tpu.memory_space<hbm>> -> memref<1x1x128xi32, #tpu.memory_space<hbm>>
    %dma_start3A_20 = tpu.memref_squeeze %dma_start3A_19 : memref<1x1x128xi32, #tpu.memory_space<hbm>> -> memref<1x128xi32, #tpu.memory_space<hbm>>
    %dma_start3A_21 = arith.constant 1 : i32
    %dma_start3A_22 = arith.constant 0 : i32
    %dma_start3A_23 = tpu.memref_slice %arg3[%add3A, %dma_start3A_21, %dma_start3A_22] : memref<32x82x128xi32, #tpu.memory_space<hbm>> -> memref<1x1x128xi32, #tpu.memory_space<hbm>>
    %dma_start3A_24 = tpu.memref_squeeze %dma_start3A_23 : memref<1x1x128xi32, #tpu.memory_space<hbm>> -> memref<1x128xi32, #tpu.memory_space<hbm>>
    tpu.enqueue_dma source(%dma_start3A_24 : memref<1x128xi32, #tpu.memory_space<hbm>>) target(%arg8 : memref<1x128xi32, #tpu.memory_space<vmem>>) target_semaphore(%arg14 : memref<!tpu.dma_semaphore, #tpu.memory_space<semaphore_mem>>)
    %dma_wait3A = arith.constant 0 : i32
    %dma_wait3A_25 = arith.constant 0 : i32
    %dma_wait3A_26 = tpu.memref_slice %arg3[%add3A, %dma_wait3A, %dma_wait3A_25] : memref<32x82x128xi32, #tpu.memory_space<hbm>> -> memref<1x1x128xi32, #tpu.memory_space<hbm>>
    %dma_wait3A_27 = tpu.memref_squeeze %dma_wait3A_26 : memref<1x1x128xi32, #tpu.memory_space<hbm>> -> memref<1x128xi32, #tpu.memory_space<hbm>>
    %dma_wait3A_28 = arith.constant 0 : i32
    %dma_wait3A_29 = arith.constant 0 : i32
    %dma_wait3A_30 = tpu.memref_slice %arg3[%add3A, %dma_wait3A_28, %dma_wait3A_29] : memref<32x82x128xi32, #tpu.memory_space<hbm>> -> memref<1x1x128xi32, #tpu.memory_space<hbm>>
    %dma_wait3A_31 = tpu.memref_squeeze %dma_wait3A_30 : memref<1x1x128xi32, #tpu.memory_space<hbm>> -> memref<1x128xi32, #tpu.memory_space<hbm>>
    tpu.wait_dma2 semaphore(%arg13 : memref<!tpu.dma_semaphore, #tpu.memory_space<semaphore_mem>>) src(%dma_wait3A_31 : memref<1x128xi32, #tpu.memory_space<hbm>>) dst(%arg7 : memref<1x128xi32, #tpu.memory_space<vmem>>)
    %dma_start3A_32 = arith.constant 0 : i32
    %dma_start3A_33 = arith.constant 0 : i32
    %dma_start3A_34 = tpu.memref_slice %arg7[%dma_start3A_32, %dma_start3A_33] : memref<1x128xi32, #tpu.memory_space<vmem>> -> memref<1x128xi32, #tpu.memory_space<vmem>>
    %dma_start3A_35 = tpu.memref_squeeze %dma_start3A_34 : memref<1x128xi32, #tpu.memory_space<vmem>> -> memref<128xi32, #tpu.memory_space<vmem>>
    %dma_start3A_36 = arith.constant 0 : i32
    %dma_start3A_37 = arith.constant 0 : i32
    %dma_start3A_38 = tpu.memref_slice %arg2[%dma_start3A_36, %dma_start3A_37] : memref<10240x128xf32, #tpu.memory_space<hbm>> -> memref<10240x128xf32, #tpu.memory_space<hbm>>
    tpu.enqueue_indirect_dma source(%dma_start3A_38 : memref<10240x128xf32, #tpu.memory_space<hbm>>) target(%arg10 : memref<128x128xf32, #tpu.memory_space<vmem>>) offsets(%dma_start3A_35 : memref<128xi32, #tpu.memory_space<vmem>>) semaphore(%arg15 : memref<!tpu.dma_semaphore, #tpu.memory_space<semaphore_mem>>)
    %dma_wait3A_39 = arith.constant 1 : i32
    %dma_wait3A_40 = arith.constant 0 : i32
    %dma_wait3A_41 = tpu.memref_slice %arg3[%add3A, %dma_wait3A_39, %dma_wait3A_40] : memref<32x82x128xi32, #tpu.memory_space<hbm>> -> memref<1x1x128xi32, #tpu.memory_space<hbm>>
    %dma_wait3A_42 = tpu.memref_squeeze %dma_wait3A_41 : memref<1x1x128xi32, #tpu.memory_space<hbm>> -> memref<1x128xi32, #tpu.memory_space<hbm>>
    %dma_wait3A_43 = arith.constant 1 : i32
    %dma_wait3A_44 = arith.constant 0 : i32
    %dma_wait3A_45 = tpu.memref_slice %arg3[%add3A, %dma_wait3A_43, %dma_wait3A_44] : memref<32x82x128xi32, #tpu.memory_space<hbm>> -> memref<1x1x128xi32, #tpu.memory_space<hbm>>
    %dma_wait3A_46 = tpu.memref_squeeze %dma_wait3A_45 : memref<1x1x128xi32, #tpu.memory_space<hbm>> -> memref<1x128xi32, #tpu.memory_space<hbm>>
    tpu.wait_dma2 semaphore(%arg14 : memref<!tpu.dma_semaphore, #tpu.memory_space<semaphore_mem>>) src(%dma_wait3A_46 : memref<1x128xi32, #tpu.memory_space<hbm>>) dst(%arg8 : memref<1x128xi32, #tpu.memory_space<vmem>>)
    %dma_start3A_47 = arith.constant 0 : i32
    %dma_start3A_48 = arith.constant 0 : i32
    %dma_start3A_49 = tpu.memref_slice %arg8[%dma_start3A_47, %dma_start3A_48] : memref<1x128xi32, #tpu.memory_space<vmem>> -> memref<1x128xi32, #tpu.memory_space<vmem>>
    %dma_start3A_50 = tpu.memref_squeeze %dma_start3A_49 : memref<1x128xi32, #tpu.memory_space<vmem>> -> memref<128xi32, #tpu.memory_space<vmem>>
    %dma_start3A_51 = arith.constant 0 : i32
    %dma_start3A_52 = arith.constant 0 : i32
    %dma_start3A_53 = tpu.memref_slice %arg2[%dma_start3A_51, %dma_start3A_52] : memref<10240x128xf32, #tpu.memory_space<hbm>> -> memref<10240x128xf32, #tpu.memory_space<hbm>>
    tpu.enqueue_indirect_dma source(%dma_start3A_53 : memref<10240x128xf32, #tpu.memory_space<hbm>>) target(%arg11 : memref<128x128xf32, #tpu.memory_space<vmem>>) offsets(%dma_start3A_50 : memref<128xi32, #tpu.memory_space<vmem>>) semaphore(%arg16 : memref<!tpu.dma_semaphore, #tpu.memory_space<semaphore_mem>>)
    %scan3A = arith.constant 0 : i32
    %scan3A_54 = arith.constant 40 : i32
    %scan3A_55 = arith.addi %scan3A, %scan3A_54 : i32
    %scan3A_56 = arith.constant 1 : i32
    scf.for %scan3A_59 = %scan3A to %scan3A_55 step %scan3A_56  : i32 {
      %mul3A_60 = arith.constant 2 : i32
      %mul3A_61 = arith.muli %scan3A_59, %mul3A_60 : i32
      %add3A_62 = arith.constant 0 : i32
      %add3A_63 = arith.addi %add3A_62, %mul3A_61 : i32
      %dma_wait3A_64 = arith.constant 0 : i32
      %dma_wait3A_65 = arith.constant 0 : i32
      %dma_wait3A_66 = tpu.memref_slice %arg7[%dma_wait3A_64, %dma_wait3A_65] : memref<1x128xi32, #tpu.memory_space<vmem>> -> memref<1x128xi32, #tpu.memory_space<vmem>>
      %dma_wait3A_67 = tpu.memref_squeeze %dma_wait3A_66 : memref<1x128xi32, #tpu.memory_space<vmem>> -> memref<128xi32, #tpu.memory_space<vmem>>
      %dma_wait3A_68 = arith.constant 0 : i32
      %dma_wait3A_69 = arith.constant 0 : i32
      %dma_wait3A_70 = tpu.memref_slice %arg2[%dma_wait3A_68, %dma_wait3A_69] : memref<10240x128xf32, #tpu.memory_space<hbm>> -> memref<10240x128xf32, #tpu.memory_space<hbm>>
      tpu.wait_indirect_dma semaphore(%arg15 : memref<!tpu.dma_semaphore, #tpu.memory_space<semaphore_mem>>) src(%dma_wait3A_70 : memref<10240x128xf32, #tpu.memory_space<hbm>>) dst(%arg10 : memref<128x128xf32, #tpu.memory_space<vmem>>)
      %add3A_71 = arith.constant 2 : i32
      %add3A_72 = arith.addi %add3A_63, %add3A_71 : i32
      %dma_start3A_73 = arith.constant 0 : i32
      %dma_start3A_74 = tpu.memref_slice %arg3[%add3A, %add3A_72, %dma_start3A_73] : memref<32x82x128xi32, #tpu.memory_space<hbm>> -> memref<1x1x128xi32, #tpu.memory_space<hbm>>
      %dma_start3A_75 = tpu.memref_squeeze %dma_start3A_74 : memref<1x1x128xi32, #tpu.memory_space<hbm>> -> memref<1x128xi32, #tpu.memory_space<hbm>>
      %dma_start3A_76 = arith.constant 0 : i32
      %dma_start3A_77 = tpu.memref_slice %arg3[%add3A, %add3A_72, %dma_start3A_76] : memref<32x82x128xi32, #tpu.memory_space<hbm>> -> memref<1x1x128xi32, #tpu.memory_space<hbm>>
      %dma_start3A_78 = tpu.memref_squeeze %dma_start3A_77 : memref<1x1x128xi32, #tpu.memory_space<hbm>> -> memref<1x128xi32, #tpu.memory_space<hbm>>
      tpu.enqueue_dma source(%dma_start3A_78 : memref<1x128xi32, #tpu.memory_space<hbm>>) target(%arg7 : memref<1x128xi32, #tpu.memory_space<vmem>>) target_semaphore(%arg13 : memref<!tpu.dma_semaphore, #tpu.memory_space<semaphore_mem>>)
      %dma_start3A_79 = arith.constant 0 : i32
      %dma_start3A_80 = tpu.memref_slice %arg9[%add3A_63, %dma_start3A_79] : memref<80x128xi32, #tpu.memory_space<vmem>> -> memref<1x128xi32, #tpu.memory_space<vmem>>
      %dma_start3A_81 = tpu.memref_squeeze %dma_start3A_80 : memref<1x128xi32, #tpu.memory_space<vmem>> -> memref<128xi32, #tpu.memory_space<vmem>>
      %dma_start3A_82 = arith.constant 0 : i32
      %dma_start3A_83 = arith.constant 0 : i32
      %dma_start3A_84 = tpu.memref_slice %arg12[%dma_start3A_82, %dma_start3A_83] : memref<10240x128xf32, #tpu.memory_space<vmem_shared>> -> memref<10240x128xf32, #tpu.memory_space<vmem_shared>>
      tpu.enqueue_indirect_dma source(%arg10 : memref<128x128xf32, #tpu.memory_space<vmem>>) target(%dma_start3A_84 : memref<10240x128xf32, #tpu.memory_space<vmem_shared>>) offsets(%dma_start3A_81 : memref<128xi32, #tpu.memory_space<vmem>>) semaphore(%arg17 : memref<!tpu.dma_semaphore, #tpu.memory_space<semaphore_mem>>) {add = true}
      %dma_wait3A_85 = arith.constant 0 : i32
      %dma_wait3A_86 = arith.constant 0 : i32
      %dma_wait3A_87 = tpu.memref_slice %arg8[%dma_wait3A_85, %dma_wait3A_86] : memref<1x128xi32, #tpu.memory_space<vmem>> -> memref<1x128xi32, #tpu.memory_space<vmem>>
      %dma_wait3A_88 = tpu.memref_squeeze %dma_wait3A_87 : memref<1x128xi32, #tpu.memory_space<vmem>> -> memref<128xi32, #tpu.memory_space<vmem>>
      %dma_wait3A_89 = arith.constant 0 : i32
      %dma_wait3A_90 = arith.constant 0 : i32
      %dma_wait3A_91 = tpu.memref_slice %arg2[%dma_wait3A_89, %dma_wait3A_90] : memref<10240x128xf32, #tpu.memory_space<hbm>> -> memref<10240x128xf32, #tpu.memory_space<hbm>>
      tpu.wait_indirect_dma semaphore(%arg16 : memref<!tpu.dma_semaphore, #tpu.memory_space<semaphore_mem>>) src(%dma_wait3A_91 : memref<10240x128xf32, #tpu.memory_space<hbm>>) dst(%arg11 : memref<128x128xf32, #tpu.memory_space<vmem>>)
      %add3A_92 = arith.constant 3 : i32
      %add3A_93 = arith.addi %add3A_63, %add3A_92 : i32
      %dma_start3A_94 = arith.constant 0 : i32
      %dma_start3A_95 = tpu.memref_slice %arg3[%add3A, %add3A_93, %dma_start3A_94] : memref<32x82x128xi32, #tpu.memory_space<hbm>> -> memref<1x1x128xi32, #tpu.memory_space<hbm>>
      %dma_start3A_96 = tpu.memref_squeeze %dma_start3A_95 : memref<1x1x128xi32, #tpu.memory_space<hbm>> -> memref<1x128xi32, #tpu.memory_space<hbm>>
      %dma_start3A_97 = arith.constant 0 : i32
      %dma_start3A_98 = tpu.memref_slice %arg3[%add3A, %add3A_93, %dma_start3A_97] : memref<32x82x128xi32, #tpu.memory_space<hbm>> -> memref<1x1x128xi32, #tpu.memory_space<hbm>>
      %dma_start3A_99 = tpu.memref_squeeze %dma_start3A_98 : memref<1x1x128xi32, #tpu.memory_space<hbm>> -> memref<1x128xi32, #tpu.memory_space<hbm>>
      tpu.enqueue_dma source(%dma_start3A_99 : memref<1x128xi32, #tpu.memory_space<hbm>>) target(%arg8 : memref<1x128xi32, #tpu.memory_space<vmem>>) target_semaphore(%arg14 : memref<!tpu.dma_semaphore, #tpu.memory_space<semaphore_mem>>)
      %add3A_100 = arith.constant 1 : i32
      %add3A_101 = arith.addi %add3A_63, %add3A_100 : i32
      %dma_start3A_102 = arith.constant 0 : i32
      %dma_start3A_103 = tpu.memref_slice %arg9[%add3A_101, %dma_start3A_102] : memref<80x128xi32, #tpu.memory_space<vmem>> -> memref<1x128xi32, #tpu.memory_space<vmem>>
      %dma_start3A_104 = tpu.memref_squeeze %dma_start3A_103 : memref<1x128xi32, #tpu.memory_space<vmem>> -> memref<128xi32, #tpu.memory_space<vmem>>
      %dma_start3A_105 = arith.constant 0 : i32
      %dma_start3A_106 = arith.constant 0 : i32
      %dma_start3A_107 = tpu.memref_slice %arg12[%dma_start3A_105, %dma_start3A_106] : memref<10240x128xf32, #tpu.memory_space<vmem_shared>> -> memref<10240x128xf32, #tpu.memory_space<vmem_shared>>
      tpu.enqueue_indirect_dma source(%arg11 : memref<128x128xf32, #tpu.memory_space<vmem>>) target(%dma_start3A_107 : memref<10240x128xf32, #tpu.memory_space<vmem_shared>>) offsets(%dma_start3A_104 : memref<128xi32, #tpu.memory_space<vmem>>) semaphore(%arg18 : memref<!tpu.dma_semaphore, #tpu.memory_space<semaphore_mem>>) {add = true}
      %dma_wait3A_108 = arith.constant 0 : i32
      %dma_wait3A_109 = tpu.memref_slice %arg9[%add3A_63, %dma_wait3A_108] : memref<80x128xi32, #tpu.memory_space<vmem>> -> memref<1x128xi32, #tpu.memory_space<vmem>>
      %dma_wait3A_110 = tpu.memref_squeeze %dma_wait3A_109 : memref<1x128xi32, #tpu.memory_space<vmem>> -> memref<128xi32, #tpu.memory_space<vmem>>
      %dma_wait3A_111 = arith.constant 0 : i32
      %dma_wait3A_112 = arith.constant 0 : i32
      %dma_wait3A_113 = tpu.memref_slice %arg12[%dma_wait3A_111, %dma_wait3A_112] : memref<10240x128xf32, #tpu.memory_space<vmem_shared>> -> memref<10240x128xf32, #tpu.memory_space<vmem_shared>>
      tpu.wait_indirect_dma semaphore(%arg17 : memref<!tpu.dma_semaphore, #tpu.memory_space<semaphore_mem>>) src(%arg10 : memref<128x128xf32, #tpu.memory_space<vmem>>) dst(%dma_wait3A_113 : memref<10240x128xf32, #tpu.memory_space<vmem_shared>>)
      %add3A_114 = arith.constant 2 : i32
      %add3A_115 = arith.addi %add3A_63, %add3A_114 : i32
      %dma_wait3A_116 = arith.constant 0 : i32
      %dma_wait3A_117 = tpu.memref_slice %arg3[%add3A, %add3A_115, %dma_wait3A_116] : memref<32x82x128xi32, #tpu.memory_space<hbm>> -> memref<1x1x128xi32, #tpu.memory_space<hbm>>
      %dma_wait3A_118 = tpu.memref_squeeze %dma_wait3A_117 : memref<1x1x128xi32, #tpu.memory_space<hbm>> -> memref<1x128xi32, #tpu.memory_space<hbm>>
      %dma_wait3A_119 = arith.constant 0 : i32
      %dma_wait3A_120 = tpu.memref_slice %arg3[%add3A, %add3A_115, %dma_wait3A_119] : memref<32x82x128xi32, #tpu.memory_space<hbm>> -> memref<1x1x128xi32, #tpu.memory_space<hbm>>
      %dma_wait3A_121 = tpu.memref_squeeze %dma_wait3A_120 : memref<1x1x128xi32, #tpu.memory_space<hbm>> -> memref<1x128xi32, #tpu.memory_space<hbm>>
      tpu.wait_dma2 semaphore(%arg13 : memref<!tpu.dma_semaphore, #tpu.memory_space<semaphore_mem>>) src(%dma_wait3A_121 : memref<1x128xi32, #tpu.memory_space<hbm>>) dst(%arg7 : memref<1x128xi32, #tpu.memory_space<vmem>>)
      %add3A_122 = arith.constant 2 : i32
      %add3A_123 = arith.addi %add3A_63, %add3A_122 : i32
      %lt3A = arith.constant 80 : i32
      %lt3A_124 = arith.cmpi slt, %add3A_123, %lt3A : i32
      %convert_element_type3A_125 = arith.extui %lt3A_124 : i1 to i32
      %cond3A_126 = arith.constant 0 : i32
      %cond3A_127 = arith.cmpi ne, %convert_element_type3A_125, %cond3A_126 : i32
      scf.if %cond3A_127 {
        %dma_start3A_151 = arith.constant 0 : i32
        %dma_start3A_152 = arith.constant 0 : i32
        %dma_start3A_153 = tpu.memref_slice %arg7[%dma_start3A_151, %dma_start3A_152] : memref<1x128xi32, #tpu.memory_space<vmem>> -> memref<1x128xi32, #tpu.memory_space<vmem>>
        %dma_start3A_154 = tpu.memref_squeeze %dma_start3A_153 : memref<1x128xi32, #tpu.memory_space<vmem>> -> memref<128xi32, #tpu.memory_space<vmem>>
        %dma_start3A_155 = arith.constant 0 : i32
        %dma_start3A_156 = arith.constant 0 : i32
        %dma_start3A_157 = tpu.memref_slice %arg2[%dma_start3A_155, %dma_start3A_156] : memref<10240x128xf32, #tpu.memory_space<hbm>> -> memref<10240x128xf32, #tpu.memory_space<hbm>>
        tpu.enqueue_indirect_dma source(%dma_start3A_157 : memref<10240x128xf32, #tpu.memory_space<hbm>>) target(%arg10 : memref<128x128xf32, #tpu.memory_space<vmem>>) offsets(%dma_start3A_154 : memref<128xi32, #tpu.memory_space<vmem>>) semaphore(%arg15 : memref<!tpu.dma_semaphore, #tpu.memory_space<semaphore_mem>>)
      } else {
      }
      %add3A_128 = arith.constant 1 : i32
      %add3A_129 = arith.addi %add3A_63, %add3A_128 : i32
      %dma_wait3A_130 = arith.constant 0 : i32
      %dma_wait3A_131 = tpu.memref_slice %arg9[%add3A_129, %dma_wait3A_130] : memref<80x128xi32, #tpu.memory_space<vmem>> -> memref<1x128xi32, #tpu.memory_space<vmem>>
      %dma_wait3A_132 = tpu.memref_squeeze %dma_wait3A_131 : memref<1x128xi32, #tpu.memory_space<vmem>> -> memref<128xi32, #tpu.memory_space<vmem>>
      %dma_wait3A_133 = arith.constant 0 : i32
      %dma_wait3A_134 = arith.constant 0 : i32
      %dma_wait3A_135 = tpu.memref_slice %arg12[%dma_wait3A_133, %dma_wait3A_134] : memref<10240x128xf32, #tpu.memory_space<vmem_shared>> -> memref<10240x128xf32, #tpu.memory_space<vmem_shared>>
      tpu.wait_indirect_dma semaphore(%arg18 : memref<!tpu.dma_semaphore, #tpu.memory_space<semaphore_mem>>) src(%arg11 : memref<128x128xf32, #tpu.memory_space<vmem>>) dst(%dma_wait3A_135 : memref<10240x128xf32, #tpu.memory_space<vmem_shared>>)
      %add3A_136 = arith.constant 3 : i32
      %add3A_137 = arith.addi %add3A_63, %add3A_136 : i32
      %dma_wait3A_138 = arith.constant 0 : i32
      %dma_wait3A_139 = tpu.memref_slice %arg3[%add3A, %add3A_137, %dma_wait3A_138] : memref<32x82x128xi32, #tpu.memory_space<hbm>> -> memref<1x1x128xi32, #tpu.memory_space<hbm>>
      %dma_wait3A_140 = tpu.memref_squeeze %dma_wait3A_139 : memref<1x1x128xi32, #tpu.memory_space<hbm>> -> memref<1x128xi32, #tpu.memory_space<hbm>>
      %dma_wait3A_141 = arith.constant 0 : i32
      %dma_wait3A_142 = tpu.memref_slice %arg3[%add3A, %add3A_137, %dma_wait3A_141] : memref<32x82x128xi32, #tpu.memory_space<hbm>> -> memref<1x1x128xi32, #tpu.memory_space<hbm>>
      %dma_wait3A_143 = tpu.memref_squeeze %dma_wait3A_142 : memref<1x1x128xi32, #tpu.memory_space<hbm>> -> memref<1x128xi32, #tpu.memory_space<hbm>>
      tpu.wait_dma2 semaphore(%arg14 : memref<!tpu.dma_semaphore, #tpu.memory_space<semaphore_mem>>) src(%dma_wait3A_143 : memref<1x128xi32, #tpu.memory_space<hbm>>) dst(%arg8 : memref<1x128xi32, #tpu.memory_space<vmem>>)
      %add3A_144 = arith.constant 3 : i32
      %add3A_145 = arith.addi %add3A_63, %add3A_144 : i32
      %lt3A_146 = arith.constant 80 : i32
      %lt3A_147 = arith.cmpi slt, %add3A_145, %lt3A_146 : i32
      %convert_element_type3A_148 = arith.extui %lt3A_147 : i1 to i32
      %cond3A_149 = arith.constant 0 : i32
      %cond3A_150 = arith.cmpi ne, %convert_element_type3A_148, %cond3A_149 : i32
      scf.if %cond3A_150 {
        %dma_start3A_151 = arith.constant 0 : i32
        %dma_start3A_152 = arith.constant 0 : i32
        %dma_start3A_153 = tpu.memref_slice %arg8[%dma_start3A_151, %dma_start3A_152] : memref<1x128xi32, #tpu.memory_space<vmem>> -> memref<1x128xi32, #tpu.memory_space<vmem>>
        %dma_start3A_154 = tpu.memref_squeeze %dma_start3A_153 : memref<1x128xi32, #tpu.memory_space<vmem>> -> memref<128xi32, #tpu.memory_space<vmem>>
        %dma_start3A_155 = arith.constant 0 : i32
        %dma_start3A_156 = arith.constant 0 : i32
        %dma_start3A_157 = tpu.memref_slice %arg2[%dma_start3A_155, %dma_start3A_156] : memref<10240x128xf32, #tpu.memory_space<hbm>> -> memref<10240x128xf32, #tpu.memory_space<hbm>>
        tpu.enqueue_indirect_dma source(%dma_start3A_157 : memref<10240x128xf32, #tpu.memory_space<hbm>>) target(%arg11 : memref<128x128xf32, #tpu.memory_space<vmem>>) offsets(%dma_start3A_154 : memref<128xi32, #tpu.memory_space<vmem>>) semaphore(%arg16 : memref<!tpu.dma_semaphore, #tpu.memory_space<semaphore_mem>>)
      } else {
      }
    }
    %scan3A_57 = arith.constant 40 : i32
    %barrier3A_58 = arith.constant 0 : index
    tpu.barrier barrier_id(%barrier3A_58)
    "tpu.region"() ({
      %run_scoped3A = tpu.sem_alloc : memref<!tpu.dma_semaphore, #tpu.memory_space<semaphore_mem>>
      %dma_start3A_59 = arith.constant 0 : i32
      %dma_start3A_60 = tpu.memref_slice %arg6[%arg0, %mul3A_2, %dma_start3A_59] : memref<2x10240x128xf32, #tpu.memory_space<hbm>> -> memref<1x640x128xf32, #tpu.memory_space<hbm>>
      %dma_start3A_61 = tpu.memref_squeeze %dma_start3A_60 : memref<1x640x128xf32, #tpu.memory_space<hbm>> -> memref<640x128xf32, #tpu.memory_space<hbm>>
      %dma_start3A_62 = arith.constant 0 : i32
      %dma_start3A_63 = tpu.memref_slice %arg12[%mul3A_2, %dma_start3A_62] : memref<10240x128xf32, #tpu.memory_space<vmem_shared>> -> memref<640x128xf32, #tpu.memory_space<vmem_shared>>
      tpu.enqueue_dma source(%dma_start3A_63 : memref<640x128xf32, #tpu.memory_space<vmem_shared>>) target(%dma_start3A_61 : memref<640x128xf32, #tpu.memory_space<hbm>>) target_semaphore(%run_scoped3A : memref<!tpu.dma_semaphore, #tpu.memory_space<semaphore_mem>>)
      %dma_wait3A_64 = arith.constant 0 : i32
      %dma_wait3A_65 = tpu.memref_slice %arg6[%arg0, %mul3A_2, %dma_wait3A_64] : memref<2x10240x128xf32, #tpu.memory_space<hbm>> -> memref<1x640x128xf32, #tpu.memory_space<hbm>>
      %dma_wait3A_66 = tpu.memref_squeeze %dma_wait3A_65 : memref<1x640x128xf32, #tpu.memory_space<hbm>> -> memref<640x128xf32, #tpu.memory_space<hbm>>
      %dma_wait3A_67 = arith.constant 0 : i32
      %dma_wait3A_68 = tpu.memref_slice %arg12[%mul3A_2, %dma_wait3A_67] : memref<10240x128xf32, #tpu.memory_space<vmem_shared>> -> memref<640x128xf32, #tpu.memory_space<vmem_shared>>
      tpu.wait_dma2 semaphore(%run_scoped3A : memref<!tpu.dma_semaphore, #tpu.memory_space<semaphore_mem>>) src(%dma_wait3A_68 : memref<640x128xf32, #tpu.memory_space<vmem_shared>>) dst(%dma_wait3A_66 : memref<640x128xf32, #tpu.memory_space<hbm>>)
      tpu.yield
    }) : () -> ()
    return
  }
}

module attributes {stable_mosaic.version = 14 : i64} {
  func.func @_tc1_body(%arg0: i32, %arg1: memref<1024x128xf32, #tpu.memory_space<vmem>>, %arg2: memref<128x128xf32, #tpu.memory_space<vmem>>, %arg3: memref<2x1024x1xf32, #tpu.memory_space<vmem>>, %arg4: memref<1024x128xf32, #tpu.memory_space<vmem>>, %arg5: memref<1024x1xf32, #tpu.memory_space<vmem>>) attributes {dimension_semantics = [#tpu.dimension_semantics<arbitrary>], iteration_bounds = array<i64: 10>, scalar_prefetch = 0 : i64, scratch_operands = 0 : i64, tpu.core_type = #tpu.core_type<tc>, window_params = [{transform_indices = @transform_0, window_bounds = array<i64: 1024, 128>}, {pipeline_mode = #tpu.pipeline_mode<synchronous>, transform_indices = @transform_1, window_bounds = array<i64: 128, 128>}, {transform_indices = @transform_2, window_bounds = array<i64: 2, 1024, 1>}, {transform_indices = @transform_3, window_bounds = array<i64: 1024, 128>}, {transform_indices = @transform_4, window_bounds = array<i64: 1024, 1>}]} {
    %get3A = arith.constant 0 : index
    %get3A_0 = arith.constant 0 : index
    %get3A_1 = arith.constant 0 : index
    %get3A_2 = vector.load %arg3[%get3A, %get3A_0, %get3A_1] : memref<2x1024x1xf32, #tpu.memory_space<vmem>>, vector<2x1024x1xf32>
    %slice3A = vector.extract_strided_slice %get3A_2 {offsets = [0, 0, 0], sizes = [1, 1024, 1], strides = [1, 1, 1]} : vector<2x1024x1xf32> to vector<1x1024x1xf32>
    %squeeze3A = vector.shape_cast %slice3A : vector<1x1024x1xf32> to vector<1024x1xf32>
    %slice3A_3 = vector.extract_strided_slice %get3A_2 {offsets = [1, 0, 0], sizes = [1, 1024, 1], strides = [1, 1, 1]} : vector<2x1024x1xf32> to vector<1x1024x1xf32>
    %squeeze3A_4 = vector.shape_cast %slice3A_3 : vector<1x1024x1xf32> to vector<1024x1xf32>
    %add3A = arith.addf %squeeze3A, %squeeze3A_4 : vector<1024x1xf32>
    %add3A_5 = arith.constant 1.000000e+00 : f32
    %add3A_6 = vector.broadcast %add3A_5 : f32 to vector<1024x1xf32>
    %add3A_7 = arith.addf %add3A, %add3A_6 : vector<1024x1xf32>
    %rsqrt3A = math.rsqrt %add3A_7 : vector<1024x1xf32>
    %get3A_8 = arith.constant 0 : index
    %get3A_9 = arith.constant 0 : index
    %get3A_10 = vector.load %arg1[%get3A_8, %get3A_9] : memref<1024x128xf32, #tpu.memory_space<vmem>>, vector<1024x128xf32>
    %get3A_11 = arith.constant 0 : index
    %get3A_12 = arith.constant 0 : index
    %get3A_13 = vector.load %arg2[%get3A_11, %get3A_12] : memref<128x128xf32, #tpu.memory_space<vmem>>, vector<128x128xf32>
    %dot_general3A = arith.constant dense<0.000000e+00> : vector<1024x128xf32>
    %dot_general3A_14 = tpu.matmul %get3A_10, %get3A_13, %dot_general3A {dimension_numbers = #tpu.dot_dimension_numbers<[1], [0], [0], [1], [0, 0, 1, 1], [], []>, transpose_lhs_hint = false} : vector<1024x128xf32>, vector<128x128xf32>, vector<1024x128xf32> -> vector<1024x128xf32>
    %mul3A = vector.broadcast %rsqrt3A : vector<1024x1xf32> to vector<1024x128xf32>
    %mul3A_15 = arith.mulf %dot_general3A_14, %mul3A : vector<1024x128xf32>
    %swap3A = arith.constant 0 : index
    %swap3A_16 = arith.constant 0 : index
    %swap3A_17 = vector.load %arg4[%swap3A, %swap3A_16] : memref<1024x128xf32, #tpu.memory_space<vmem>>, vector<1024x128xf32>
    tpu.vector_store %arg4[%swap3A, %swap3A_16], %mul3A_15 {strides = array<i32>} : memref<1024x128xf32, #tpu.memory_space<vmem>>, vector<1024x128xf32>,
    %swap3A_18 = arith.constant 0 : index
    %swap3A_19 = arith.constant 0 : index
    %swap3A_20 = vector.load %arg5[%swap3A_18, %swap3A_19] : memref<1024x1xf32, #tpu.memory_space<vmem>>, vector<1024x1xf32>
    tpu.vector_store %arg5[%swap3A_18, %swap3A_19], %rsqrt3A {strides = array<i32>} : memref<1024x1xf32, #tpu.memory_space<vmem>>, vector<1024x1xf32>,
    return
  }
  func.func @transform_0(%arg0: i32) -> (i32, i32) {
    %c0_i32 = arith.constant 0 : i32
    %c0_i32_0 = arith.constant 0 : i32
    return %arg0, %c0_i32 : i32, i32
  }
  func.func @transform_1(%arg0: i32) -> (i32, i32) {
    %c0_i32 = arith.constant 0 : i32
    %c0_i32_0 = arith.constant 0 : i32
    %c0_i32_1 = arith.constant 0 : i32
    return %c0_i32, %c0_i32_0 : i32, i32
  }
  func.func @transform_2(%arg0: i32) -> (i32, i32, i32) {
    %c0_i32 = arith.constant 0 : i32
    %c0_i32_0 = arith.constant 0 : i32
    %c0_i32_1 = arith.constant 0 : i32
    return %c0_i32, %arg0, %c0_i32_0 : i32, i32, i32
  }
  func.func @transform_3(%arg0: i32) -> (i32, i32) {
    %c0_i32 = arith.constant 0 : i32
    %c0_i32_0 = arith.constant 0 : i32
    return %arg0, %c0_i32 : i32, i32
  }
  func.func @transform_4(%arg0: i32) -> (i32, i32) {
    %c0_i32 = arith.constant 0 : i32
    %c0_i32_0 = arith.constant 0 : i32
    return %arg0, %c0_i32 : i32, i32
  }
}

module attributes {stable_mosaic.version = 14 : i64} {
  func.func @_tc2_body(%arg0: i32, %arg1: memref<2x1024x128xf32, #tpu.memory_space<vmem>>, %arg2: memref<1024x1xf32, #tpu.memory_space<vmem>>, %arg3: memref<1x128xf32, #tpu.memory_space<vmem>>, %arg4: memref<128x128xf32, #tpu.memory_space<vmem>>, %arg5: memref<1024x128xf32, #tpu.memory_space<vmem>>) attributes {dimension_semantics = [#tpu.dimension_semantics<arbitrary>], iteration_bounds = array<i64: 10>, scalar_prefetch = 0 : i64, scratch_operands = 0 : i64, tpu.core_type = #tpu.core_type<tc>, window_params = [{transform_indices = @transform_0, window_bounds = array<i64: 2, 1024, 128>}, {transform_indices = @transform_1, window_bounds = array<i64: 1024, 1>}, {pipeline_mode = #tpu.pipeline_mode<synchronous>, transform_indices = @transform_2, window_bounds = array<i64: 1, 128>}, {pipeline_mode = #tpu.pipeline_mode<synchronous>, transform_indices = @transform_3, window_bounds = array<i64: 128, 128>}, {transform_indices = @transform_4, window_bounds = array<i64: 1024, 128>}]} {
    %get3A = arith.constant 0 : index
    %get3A_0 = arith.constant 0 : index
    %get3A_1 = arith.constant 0 : index
    %get3A_2 = vector.load %arg1[%get3A, %get3A_0, %get3A_1] : memref<2x1024x128xf32, #tpu.memory_space<vmem>>, vector<2x1024x128xf32>
    %get3A_3 = arith.constant 0 : index
    %get3A_4 = arith.constant 0 : index
    %get3A_5 = vector.load %arg2[%get3A_3, %get3A_4] : memref<1024x1xf32, #tpu.memory_space<vmem>>, vector<1024x1xf32>
    %slice3A = vector.extract_strided_slice %get3A_2 {offsets = [0, 0, 0], sizes = [1, 1024, 128], strides = [1, 1, 1]} : vector<2x1024x128xf32> to vector<1x1024x128xf32>
    %squeeze3A = vector.shape_cast %slice3A : vector<1x1024x128xf32> to vector<1024x128xf32>
    %slice3A_6 = vector.extract_strided_slice %get3A_2 {offsets = [1, 0, 0], sizes = [1, 1024, 128], strides = [1, 1, 1]} : vector<2x1024x128xf32> to vector<1x1024x128xf32>
    %squeeze3A_7 = vector.shape_cast %slice3A_6 : vector<1x1024x128xf32> to vector<1024x128xf32>
    %add3A = arith.addf %squeeze3A, %squeeze3A_7 : vector<1024x128xf32>
    %mul3A = vector.broadcast %get3A_5 : vector<1024x1xf32> to vector<1024x128xf32>
    %mul3A_8 = arith.mulf %add3A, %mul3A : vector<1024x128xf32>
    %get3A_9 = arith.constant 0 : index
    %get3A_10 = arith.constant 0 : index
    %get3A_11 = vector.load %arg3[%get3A_9, %get3A_10] : memref<1x128xf32, #tpu.memory_space<vmem>>, vector<1x128xf32>
    %add3A_12 = vector.broadcast %get3A_11 : vector<1x128xf32> to vector<1024x128xf32>
    %add3A_13 = arith.addf %mul3A_8, %add3A_12 : vector<1024x128xf32>
    %max3A = arith.constant 0.000000e+00 : f32
    %max3A_14 = vector.broadcast %max3A : f32 to vector<1024x128xf32>
    %max3A_15 = arith.maximumf %add3A_13, %max3A_14 : vector<1024x128xf32>
    %get3A_16 = arith.constant 0 : index
    %get3A_17 = arith.constant 0 : index
    %get3A_18 = vector.load %arg4[%get3A_16, %get3A_17] : memref<128x128xf32, #tpu.memory_space<vmem>>, vector<128x128xf32>
    %dot_general3A = arith.constant dense<0.000000e+00> : vector<1024x128xf32>
    %dot_general3A_19 = tpu.matmul %max3A_15, %get3A_18, %dot_general3A {dimension_numbers = #tpu.dot_dimension_numbers<[1], [0], [0], [1], [0, 0, 1, 1], [], []>, transpose_lhs_hint = false} : vector<1024x128xf32>, vector<128x128xf32>, vector<1024x128xf32> -> vector<1024x128xf32>
    %mul3A_20 = vector.broadcast %get3A_5 : vector<1024x1xf32> to vector<1024x128xf32>
    %mul3A_21 = arith.mulf %dot_general3A_19, %mul3A_20 : vector<1024x128xf32>
    %swap3A = arith.constant 0 : index
    %swap3A_22 = arith.constant 0 : index
    %swap3A_23 = vector.load %arg5[%swap3A, %swap3A_22] : memref<1024x128xf32, #tpu.memory_space<vmem>>, vector<1024x128xf32>
    tpu.vector_store %arg5[%swap3A, %swap3A_22], %mul3A_21 {strides = array<i32>} : memref<1024x128xf32, #tpu.memory_space<vmem>>, vector<1024x128xf32>,
    return
  }
  func.func @transform_0(%arg0: i32) -> (i32, i32, i32) {
    %c0_i32 = arith.constant 0 : i32
    %c0_i32_0 = arith.constant 0 : i32
    %c0_i32_1 = arith.constant 0 : i32
    return %c0_i32, %arg0, %c0_i32_0 : i32, i32, i32
  }
  func.func @transform_1(%arg0: i32) -> (i32, i32) {
    %c0_i32 = arith.constant 0 : i32
    %c0_i32_0 = arith.constant 0 : i32
    return %arg0, %c0_i32 : i32, i32
  }
  func.func @transform_2(%arg0: i32) -> (i32, i32) {
    %c0_i32 = arith.constant 0 : i32
    %c0_i32_0 = arith.constant 0 : i32
    %c0_i32_1 = arith.constant 0 : i32
    return %c0_i32, %c0_i32_0 : i32, i32
  }
  func.func @transform_3(%arg0: i32) -> (i32, i32) {
    %c0_i32 = arith.constant 0 : i32
    %c0_i32_0 = arith.constant 0 : i32
    %c0_i32_1 = arith.constant 0 : i32
    return %c0_i32, %c0_i32_0 : i32, i32
  }
  func.func @transform_4(%arg0: i32) -> (i32, i32) {
    %c0_i32 = arith.constant 0 : i32
    %c0_i32_0 = arith.constant 0 : i32
    return %arg0, %c0_i32 : i32, i32
  }
}

module attributes {stable_mosaic.version = 14 : i64} {
  func.func @_tc3_body(%arg0: i32, %arg1: memref<2x1024x128xf32, #tpu.memory_space<vmem>>, %arg2: memref<1024x1xf32, #tpu.memory_space<vmem>>, %arg3: memref<1x128xf32, #tpu.memory_space<vmem>>, %arg4: memref<1024x128xf32, #tpu.memory_space<vmem>>) attributes {dimension_semantics = [#tpu.dimension_semantics<arbitrary>], iteration_bounds = array<i64: 10>, scalar_prefetch = 0 : i64, scratch_operands = 0 : i64, tpu.core_type = #tpu.core_type<tc>, window_params = [{transform_indices = @transform_0, window_bounds = array<i64: 2, 1024, 128>}, {transform_indices = @transform_1, window_bounds = array<i64: 1024, 1>}, {pipeline_mode = #tpu.pipeline_mode<synchronous>, transform_indices = @transform_2, window_bounds = array<i64: 1, 128>}, {transform_indices = @transform_3, window_bounds = array<i64: 1024, 128>}]} {
    %get3A = arith.constant 0 : index
    %get3A_0 = arith.constant 0 : index
    %get3A_1 = arith.constant 0 : index
    %get3A_2 = vector.load %arg1[%get3A, %get3A_0, %get3A_1] : memref<2x1024x128xf32, #tpu.memory_space<vmem>>, vector<2x1024x128xf32>
    %slice3A = vector.extract_strided_slice %get3A_2 {offsets = [0, 0, 0], sizes = [1, 1024, 128], strides = [1, 1, 1]} : vector<2x1024x128xf32> to vector<1x1024x128xf32>
    %squeeze3A = vector.shape_cast %slice3A : vector<1x1024x128xf32> to vector<1024x128xf32>
    %slice3A_3 = vector.extract_strided_slice %get3A_2 {offsets = [1, 0, 0], sizes = [1, 1024, 128], strides = [1, 1, 1]} : vector<2x1024x128xf32> to vector<1x1024x128xf32>
    %squeeze3A_4 = vector.shape_cast %slice3A_3 : vector<1x1024x128xf32> to vector<1024x128xf32>
    %add3A = arith.addf %squeeze3A, %squeeze3A_4 : vector<1024x128xf32>
    %get3A_5 = arith.constant 0 : index
    %get3A_6 = arith.constant 0 : index
    %get3A_7 = vector.load %arg2[%get3A_5, %get3A_6] : memref<1024x1xf32, #tpu.memory_space<vmem>>, vector<1024x1xf32>
    %mul3A = vector.broadcast %get3A_7 : vector<1024x1xf32> to vector<1024x128xf32>
    %mul3A_8 = arith.mulf %add3A, %mul3A : vector<1024x128xf32>
    %get3A_9 = arith.constant 0 : index
    %get3A_10 = arith.constant 0 : index
    %get3A_11 = vector.load %arg3[%get3A_9, %get3A_10] : memref<1x128xf32, #tpu.memory_space<vmem>>, vector<1x128xf32>
    %add3A_12 = vector.broadcast %get3A_11 : vector<1x128xf32> to vector<1024x128xf32>
    %add3A_13 = arith.addf %mul3A_8, %add3A_12 : vector<1024x128xf32>
    %reduce_max3A = arith.constant dense<0xFF800000> : vector<1024xf32>
    %reduce_max3A_14 = vector.multi_reduction <maximumf>, %add3A_13, %reduce_max3A [1] : vector<1024x128xf32> to vector<1024xf32>
    %broadcast_in_dim3A = vector.shape_cast %reduce_max3A_14 : vector<1024xf32> to vector<1024x1xf32>
    %sub3A = vector.broadcast %broadcast_in_dim3A : vector<1024x1xf32> to vector<1024x128xf32>
    %sub3A_15 = arith.subf %add3A_13, %sub3A : vector<1024x128xf32>
    %exp3A = math.exp %sub3A_15 : vector<1024x128xf32>
    %reduce_sum3A = arith.constant dense<0.000000e+00> : vector<1024xf32>
    %reduce_sum3A_16 = vector.multi_reduction <add>, %exp3A, %reduce_sum3A [1] : vector<1024x128xf32> to vector<1024xf32>
    %broadcast_in_dim3A_17 = vector.shape_cast %reduce_sum3A_16 : vector<1024xf32> to vector<1024x1xf32>
    %sub3A_18 = vector.broadcast %broadcast_in_dim3A : vector<1024x1xf32> to vector<1024x128xf32>
    %sub3A_19 = arith.subf %add3A_13, %sub3A_18 : vector<1024x128xf32>
    %log3A = math.log %broadcast_in_dim3A_17 : vector<1024x1xf32>
    %sub3A_20 = vector.broadcast %log3A : vector<1024x1xf32> to vector<1024x128xf32>
    %sub3A_21 = arith.subf %sub3A_19, %sub3A_20 : vector<1024x128xf32>
    %swap3A = arith.constant 0 : index
    %swap3A_22 = arith.constant 0 : index
    %swap3A_23 = vector.load %arg4[%swap3A, %swap3A_22] : memref<1024x128xf32, #tpu.memory_space<vmem>>, vector<1024x128xf32>
    tpu.vector_store %arg4[%swap3A, %swap3A_22], %sub3A_21 {strides = array<i32>} : memref<1024x128xf32, #tpu.memory_space<vmem>>, vector<1024x128xf32>,
    return
  }
  func.func @transform_0(%arg0: i32) -> (i32, i32, i32) {
    %c0_i32 = arith.constant 0 : i32
    %c0_i32_0 = arith.constant 0 : i32
    %c0_i32_1 = arith.constant 0 : i32
    return %c0_i32, %arg0, %c0_i32_0 : i32, i32, i32
  }
  func.func @transform_1(%arg0: i32) -> (i32, i32) {
    %c0_i32 = arith.constant 0 : i32
    %c0_i32_0 = arith.constant 0 : i32
    return %arg0, %c0_i32 : i32, i32
  }
  func.func @transform_2(%arg0: i32) -> (i32, i32) {
    %c0_i32 = arith.constant 0 : i32
    %c0_i32_0 = arith.constant 0 : i32
    %c0_i32_1 = arith.constant 0 : i32
    return %c0_i32, %c0_i32_0 : i32, i32
  }
  func.func @transform_3(%arg0: i32) -> (i32, i32) {
    %c0_i32 = arith.constant 0 : i32
    %c0_i32_0 = arith.constant 0 : i32
    return %arg0, %c0_i32 : i32, i32
  }
}

</mosaic_0001>

<sc_bundles>
// kernel: kernel.11.cloned.1.call-start
scs
__scs_entry_jumppad:
0x0: {  	(pc) =	sbr.rel $0x88, $3  }
0x1: {  	(tag) =	ssettag $0x0;
	lr =	simm.s32 $0x1  }
0x2: {  	[smem:$0x3F9B] =	sst lr;
	_ =	strace $0xD0000000  }
0x3: {  	_ = 	snop  }
0x4: {  	_ = 	snop  }
0x5: {  	_ = 	snop  }
0x6: {  	_ = 	snop  }
0x7: {  	_ = 	snop  }
__scs_overlays_trampoline_lowered:
0x8: {  	[smem:$0x3FAA] =	sst s0  }
0x9: {  	[smem:$0x3FAB] =	sst s1  }
0xa: {  	[smem:$0x3FAC] =	sst s2  }
0xb: {  	[smem:$0x3FAD] =	sst s3  }
0xc: {  	[smem:$0x3FAE] =	sst s4  }
0xd: {  	[smem:$0x3FAF] =	sst s5  }
0xe: {  	[smem:$0x3FB0] =	sst s6  }
0xf: {  	[smem:$0x3FB1] =	sst s7  }
0x10: {  	[smem:$0x3FB2] =	sst s8  }
0x11: {  	[smem:$0x3FB3] =	sst s9;
	s0 =	simm.s32 @!p0 $0x0  }
0x12: {  	s1 =	sld [smem:$0x3F99];
	s0 =	simm.s32 @p0 $0x1  }
0x13: {  	[smem:$0x3FB4] =	sst s0;
	s0 =	simm.s32 @!p1 $0x0  }
0x14: {  	s2 =	sld [smem:$0x3F98];
	s0 =	simm.s32 @p1 $0x1  }
0x15: {  	[smem:$0x3FB5] =	sst s0;
	s0 =	simm.s32 @!p2 $0x0  }
0x16: {  	s3 =	sld [smem:$0x3FDB];
	s0 =	simm.s32 @p2 $0x1  }
0x17: {  	s4 =	simm.s32 $0x1BF5;
	[smem:$0x3FB7] =	sst s0  }
0x18: {  	s0 =	sld [smem:$0x3F9A];
	_ =	swait.ge [sflag:s4], $0x0  }
0x19: {  	s7 =	sld [smem:$0x3F9B]  }
0x1a: {  	s8 =	sadd.s32 $0xFFFFE003, lr  }
0x1b: {  	s9 =	sadd.s32 $0xFFFFFEF7, lr;
	s5 =	simm.s32 $0xFFFFFFFF;
	p2 =	slt.u32 s8, $0xFFFFF086  }
0x1c: {  	p1 =	slt.u32 s9, $0xF7A;
	s5 =	simm.s32 @!p2 $0x0  }
0x1d: {  	s5 =	simm.s32 @p1 $0x1;
	p0 =	seq.s32 s7, s2  }
0x1e: {  	s7 =	smul.u32 @!p0 $0xF7A, s2;
	p2 =	seq.s32 @!p0 s5, $0x0  }
0x1f: {  	s9 =	smul.u32 $0xF7A, s1;
	s8 =	simm.s32 @!p0 $0x1BF5;
	p2 =	por !p2, p0  }
0x20: {  	[sflag:s8] =	ssyncset.s32 @!p0 $0xFFFFF086;
	s6 =	sadd.s32 @!p0 s3, s7;
	s7 =	simm.s32 @!p0 $0x108  }
0x21: {  	s3 =	sadd.s32 s3, s9;
	s6 =	sadd.s32 @!p0 $0x88, s6;
	s7 =	simm.s32 @p2 $0x1082  }
0x22: {  	[simem:s7], [sflag:s8] =	dma.local @!p0 [hbm:s6], $0xF7A  }
0x23: {  	s9 =	sor.u32 $0xD0000000, s2;
	s6 =	simm.s32 $0x108;
	_ =	swait.ge @!p0 [sflag:s8], $0x0  }
0x24: {  	s3 =	sadd.s32 $0x88, s3;
	s6 =	simm.s32 @!p1 $0x1082;
	[sflag:s4] =	ssyncset.s32 $0xFFFFF086  }
0x25: {  	[simem:s6], [sflag:s4] =	dma.local [hbm:s3], $0xF7A  }
0x26: {  	[smem:$0x3F9B] =	sst s1;
	(tag) =	ssettag s2;
	_ =	strace s9  }
0x27: {  	s1 =	sld [smem:$0x3FAB]  }
0x28: {  	s2 =	sld [smem:$0x3FAC]  }
0x29: {  	s4 =	sld [smem:$0x3FAE]  }
0x2a: {  	p0 =	seq.s32 s5, $0x0;
	s5 =	sld [smem:$0x3FAF]  }
0x2b: {  	s6 =	sld [smem:$0x3FB0]  }
0x2c: {  	s7 =	sld [smem:$0x3FB1]  }
0x2d: {  	s3 =	simm.s32 $0x108;
	s8 =	sld [smem:$0x3FB2]  }
0x2e: {  	s3 =	simm.s32 @!p0 $0x1082;
	s9 =	sld [smem:$0x3FB3]  }
0x2f: {  	lr =	sadd.s32 s0, s3;
	s0 =	sld [smem:$0x3FAA]  }
0x30: {  	s3 =	sld [smem:$0x3FAD]  }
0x31: {  	[smem:$0x3FB6] =	sst s10  }
0x32: {  	s10 =	sld [smem:$0x3FB4];
	_ =	sdelay $0x3  }
0x33: {  	p0 =	seq.s32 s10, $0x1;
	s10 =	sld [smem:$0x3FB6];
	_ =	sdelay $0x3  }
0x34: {  	[smem:$0x3FB6] =	sst s10  }
0x35: {  	s10 =	sld [smem:$0x3FB5];
	_ =	sdelay $0x3  }
0x36: {  	p1 =	seq.s32 s10, $0x1;
	s10 =	sld [smem:$0x3FB6];
	_ =	sdelay $0x3  }
0x37: {  	[smem:$0x3FB6] =	sst s10  }
0x38: {  	s10 =	sld [smem:$0x3FB7]  }
0x39: {  	_ = 	snop;
	(pc) =	sbr.ind lr, $3  }
0x3a: {  	_ = 	snop  }
0x3b: {  	_ = 	snop  }
0x3c: {  	p2 =	seq.s32 s10, $0x1;
	s10 =	sld [smem:$0x3FB6]  }
0x3d: {  	_ =	shalt  }
0x3e: {  	_ =	shalt  }
0x3f: {  	_ =	shalt  }
0x40: {  	_ =	shalt  }
0x41: {  	_ =	shalt  }
0x42: {  	_ =	shalt  }
0x43: {  	_ =	shalt  }
0x44: {  	_ =	shalt  }
0x45: {  	_ =	shalt  }
0x46: {  	_ =	shalt  }
0x47: {  	_ =	shalt  }
0x48: {  	_ =	shalt  }
0x49: {  	_ =	shalt  }
0x4a: {  	_ =	shalt  }
0x4b: {  	_ =	shalt  }
0x4c: {  	_ =	shalt  }
0x4d: {  	_ =	shalt  }
0x4e: {  	_ =	shalt  }
0x4f: {  	_ =	shalt  }
0x50: {  	_ =	shalt  }
0x51: {  	_ =	shalt  }
0x52: {  	_ =	shalt  }
0x53: {  	_ =	shalt  }
0x54: {  	_ =	shalt  }
0x55: {  	_ =	shalt  }
0x56: {  	_ =	shalt  }
0x57: {  	_ =	shalt  }
0x58: {  	_ =	shalt  }
0x59: {  	_ =	shalt  }
0x5a: {  	_ =	shalt  }
0x5b: {  	_ =	shalt  }
0x5c: {  	_ =	shalt  }
0x5d: {  	_ =	shalt  }
0x5e: {  	_ =	shalt  }
0x5f: {  	_ =	shalt  }
0x60: {  	_ =	shalt  }
0x61: {  	_ =	shalt  }
0x62: {  	_ =	shalt  }
0x63: {  	_ =	shalt  }
0x64: {  	_ =	shalt  }
0x65: {  	_ =	shalt  }
0x66: {  	_ =	shalt  }
0x67: {  	_ =	shalt  }
0x68: {  	_ =	shalt  }
0x69: {  	_ =	shalt  }
0x6a: {  	_ =	shalt  }
0x6b: {  	_ =	shalt  }
0x6c: {  	_ =	shalt  }
0x6d: {  	_ =	shalt  }
0x6e: {  	_ =	shalt  }
0x6f: {  	_ =	shalt  }
0x70: {  	_ =	shalt  }
0x71: {  	_ =	shalt  }
0x72: {  	_ =	shalt  }
0x73: {  	_ =	shalt  }
0x74: {  	_ =	shalt  }
0x75: {  	_ =	shalt  }
0x76: {  	_ =	shalt  }
0x77: {  	_ =	shalt  }
0x78: {  	_ =	shalt  }
0x79: {  	_ =	shalt  }
0x7a: {  	_ =	shalt  }
0x7b: {  	_ =	shalt  }
0x7c: {  	_ =	shalt  }
0x7d: {  	_ =	shalt  }
0x7e: {  	_ =	shalt  }
0x7f: {  	_ =	shalt  }
0x80: {  	_ =	shalt  }
0x81: {  	_ =	shalt  }
0x82: {  	_ =	shalt  }
0x83: {  	_ =	shalt  }
0x84: {  	_ =	shalt  }
0x85: {  	_ =	shalt  }
0x86: {  	_ =	shalt  }
0x87: {  	_ =	shalt  }
.Lfunc_end0:
.L_simem_size_0:
called_computation.1_lowered:
.L_overlay_start_0:
0x88: {  	s2 =	sld [smem:$0x3FD9]  }
0x89: {  	s3 =	sld [smem:$0x3FFE];
	_ =	sdelay $0x1  }
0x8a: {  	s1 =	srdreg.scid  }
0x8b: {  	s0 =	sand.u32 $0x1, s1  }
0x8c: {  	s17 =	sshll.u32 s0, $0xA;
	s2 =	sadd.s32 s3, s2  }
0x8d: {  	s2 =	sadd.s32 s2, s17  }
0x8e: {  	[smem:$0x3FC2] =	sst s2  }
0x8f: {  	_ = 	snop  }
0x90: {  	s2 =	sld [smem:$0x3FD0];
	(tm) =	ssettm $0x1  }
0x91: {  	s18 =	sld [smem:$0x3FFB];
	_ =	sdelay $0x3  }
0x92: {  	_ =	strace s18  }
0x93: {  	s3 =	sld [smem:$0x3FFC];
	_ =	sdelay $0x3  }
0x94: {  	_ =	strace s3  }
0x95: {  	s3 =	sld [smem:$0x3FFD];
	_ =	sdelay $0x3  }
0x96: {  	_ =	strace s3  }
0x97: {  	_ =	strace $0x8FFFFFFF  }
0x98: {  	s19 =	sld [smem:$0x3FDB];
	_ =	sdelay $0x1  }
0x99: {  	s4 =	simm.s32 $_scs_section_size  }
0x9a: {  	s5 =	simm.s32 $_size__tile_overlayer_lowered;
	s6 =	simm.s32 $_tile_overlayer_lowered  }
0x9b: {  	s22 =	simm.s32 $0x1BFF;
	s21 =	sshll.u32 s6, $0x1;
	s3 =	sadd.s32 s4, s19  }
0x9c: {  	s7 =	simm.s32 $0x0;
	s20 =	sshll.u32 s5, $0x1;
	s5 =	sadd.s32 s21, s3  }
0x9d: {  	[timem:s7], [sflag:s22] =	dma.local [hbm:s5], s20  }
0x9e: {  	_ =	swait.ge [sflag:s22], s20  }
0x9f: {  	s4 =	ssub.s32 $0x0, s20;
	[sflag:s22] =	ssyncset.done $0x0  }
0xa0: {  	[sflag:s22] =	ssyncadd.s32 s4;
	_ =	sdelay $0x1  }
0xa1: {  	s23 =	simm.s32 $0x1B8B  }
0xa2: {  	_ =	swait.ge [sflag:s23], $0x1  }
0xa3: {  	[sflag:s23] =	ssyncset.done $0x0  }
0xa4: {  	s25 =	simm.s32 $0x1B8E;
	s24 =	sld [smem:$0x3FFE];
	[sflag:s23] =	ssyncadd.s32 $0xFFFFFFFF  }
0xa5: {  	s26 =	simm.s32 $execute0_lowered;
	[smem:$0x3FD2] =	sst s25  }
0xa6: {  	s5 =	sshll.u32 s26, $0x1;
	_ =	strace $0x80000049;
	[dreg:$0x1] =	wrdreg $0xFFFFFFFF  }
0xa7: {  	s28 =	simm.s32 $_size_execute0_lowered;
	s3 =	sadd.s32 s3, s5;
	[dreg:$0x0] =	wrdreg $0x0  }
0xa8: {  	s5 =	sshll.u32 s28, $0x1;
	[dreg:$0x2] =	wrdreg s3  }
0xa9: {  	[dreg:$0x3] =	wrdreg s5  }
0xaa: {  	[dreg:$0x4] =	wrdreg $0xC0  }
0xab: {  	_ =	task [dreg:s7], $0x5FFFF  }
0xac: {  	[dreg:$0x1] =	wrdreg $0xFFFFFFFF  }
0xad: {  	[dreg:$0x0] =	wrdreg $0x60  }
0xae: {  	[dreg:$0x2] =	wrdreg s24  }
0xaf: {  	[dreg:$0x3] =	wrdreg s2  }
0xb0: {  	[dreg:$0x4] =	wrdreg $0xA9000  }
0xb1: {  	[dreg:$0x5] =	wrdreg $0x9  }
0xb2: {  	_ =	task.clear_ibuf [dreg:s7], $0x6FFFF;
	_ =	strace $0x90000049  }
0xb3: {  	s29 =	simm.s32 $0x9;
	_ =	strace $0x8000004B  }
0xb4: {  	_ =	swait.ge [sflag:s29], $0x1  }
0xb5: {  	[sflag:s29] =	ssyncadd.s32 $0xFFFFFFFF  }
0xb6: {  	_ =	strace $0x9000004B  }
0xb7: {  	_ =	sfence  }
0xb8: {  	s30 =	sld [smem:$0x0];
	_ =	sdelay $0x2  }
0xb9: {  	s31 =	sshll.u32 s1, $0xD;
	s1 =	sshrl.u32 s1, $0x2  }
0xba: {  	s3 =	sand.u32 $0x4000, s31;
	s1 =	sadd.s32 s1, s30  }
0xbb: {  	s0 =	sor.u32 s3, s0;
	s1 =	sshll.u32 s1, $0x11  }
0xbc: {  	s0 =	sor.u32 s1, s0  }
0xbd: {  	s0 =	sadd.s32 $0x8F2B, s0  }
0xbe: {  	[sflag:s0] =	ssyncadd.remote.s32 $0x1  }
0xbf: {  	_ =	sfence.sel $0xFFFF  }
0xc0: {  	[dreg:$0x0] =	wrdreg $0xFFFFFFFF;
	(pc) =	sbr.abs _section_cstart, $3  }
0xc1: {  	[dreg:$0x1] =	wrdreg $0xFFFFFFFF  }
0xc2: {  	_ =	task.clear_ibuf [dreg:s7], $0x2FFFF;
	_ =	strace $0x9FFFFFFF  }
0xc3: {  	(tm) =	ssettm $0x7FFFFFFF  }
tec
execute0_lowered:
.L_overlay_start_1:
0x0: {  	(tag) =	ssettag $0x1  }
0x1: {  	s0 =	srdreg.scid  }
0x2: {  	s1 =	rddreg [dreg:$0x0];
	s17 =	stileid.u32  }
0x3: {  	s2 =	rddreg [dreg:$0x1];
	s4 =	simm.s32 $0x0;
	s16 =	simm.s32 $0x7  }
0x4: {  	s19 =	simm.s32 $0x80;
	s20 =	simm.s32 $0x1;
	s21 =	simm.s32 $0x2900  }
0x5: {  	s28 =	simm.s32 $0x6;
	s31 =	simm.s32 $0x0;
	s9 =	smul.u32 $0x14000, s17  }
0x6: {  	s0 =	sand.u32 $0x1, s0;
	[smem:$0x7FF] =	sst s4;
	s11 =	smul.u32 $0x50000, s17  }
0x7: {  	s5 =	sadd.s32 $0xBE00, s1;
	s15 =	sadd.s32 $0x33E00, s1;
	s24 =	smul.u32 $0x2800, s17  }
0x8: {  	s14 =	sadd.s32 $0x10, s2;
	s30 =	sshll.u32 s17, $0x6;
	s3 =	sshll.u32 s0, $0x4  }
0x9: {  	s8 =	smul.u32 $0x140000, s0;
	s22 =	ssub.s32 $0x2, s0;
	p0 =	seq.s32 s0, $0x1  }
0xa: {  	s6 =	sor.u32 s17, s3;
	s3 =	rddreg [dreg:$0x2];
	_ =	strace $0x8000004A  }
0xb: {  	s10 =	sshrl.u32 s22, $0x1;
	s23 =	sshrl.u32 s11, $0x2;
	s17 =	sor.u32 $0x1C07, s30  }
0xc: {  	s7 =	smul.u32 $0x500, s6;
	s8 =	sadd.s32 s9, s8;
	s12 =	ssub.s32 s22, s10  }
0xd: {  	s6 =	smul.u32 $0x2C00, s6;
	s25 =	sadd.s32 s23, s3;
	s22 =	simm.s32 $0x2  }
0xe: {  	s23 =	simm.s32 $0x6900;
	s8 =	sshrl.u32 s8, $0x3;
	s12 =	smax.u32 s12, $0x1  }
0xf: {  	s18 =	sshrl.u32 s25, $0x3;
	s25 =	simm.s32 $0x4;
	s7 =	sadd.s32 s7, s1  }
0x10: {  	s1 =	sadd.s32 s8, s1;
	s13 =	sshrl.u32 s6, $0x3;
	s8 =	sadd.s32 s5, s24  }
0x11: {  	s24 =	simm.s32 $0x3;
	s7 =	sadd.s32 $0x1E00, s7;
	s26 =	sadd.s32 s2, s13  }
0x12: {  	s10 =	sadd.s32 s13, s14;
	s11 =	sadd.s32 $0x36600, s1;
	[dreg:$0x4] =	wrdreg s7  }
0x13: {  	s29 =	sadd.s32 $0x500, s13;
	s8 =	smov.u32 @p0 s15;
	[dreg:$0x5] =	wrdreg s26  }
0x14: {  	s13 =	sadd.s32 s2, s29;
	s14 =	sadd.s32 s29, s14;
	s26 =	simm.s32 $0x5  }
.LBB2_1:
0x15: {  	s0 =	rddreg [dreg:$0x4];
	s1 =	simm.s32 $0x100  }
0x16: {  	[tilespmem:s1], [sflag:$0x7] =	stream.linear.gather [hbm4b:s0+s4], $0x2800, $0x38;
	[tilespmem:$0x1E900] =	vst v63  }
0x17: {  	_ =	swait.ge [sflag:s16], $0x2800  }
0x18: {  	[sflag:s16] =	ssyncset.done $0x0  }
0x19: {  	[sflag:s16] =	ssyncadd.s32 $0xFFFFD800  }
0x1a: {  	[spmem:s18], [sflag:s17] =	dma.local [hbm:s8], $0x2800  }
0x1b: {  	_ =	swait.ge [sflag:s16], $0x2800  }
0x1c: {  	[sflag:s16] =	ssyncset.done $0x0  }
0x1d: {  	[sflag:s16] =	ssyncadd.s32 $0xFFFFD800  }
0x1e: {  	[bflag:$0x0] =	sbarrier.arrive $0xFFFF  }
0x1f: {  	s9 =	rddreg [dreg:$0x5]  }
0x20: {  	[tilespmem:s4], [sflag:$0x1] =	stream.linear.gather [hbm4b:s9+s4], $0x80, $0x38;
	[tilespmem:$0x1E900] =	vst v63  }
0x21: {  	_ = 	snop  }
0x22: {  	[tilespmem:s19], [sflag:$0x2] =	stream.linear.gather [hbm4b:s10+s4], $0x80, $0x38;
	[tilespmem:$0x1E900] =	vst v63  }
0x23: {  	_ =	swait.ge [sflag:s20], $0x80  }
0x24: {  	[sflag:s20] =	ssyncset.done $0x0  }
0x25: {  	[sflag:s20] =	ssyncadd.s32 $0xFFFFFF80  }
0x26: {  	[tilespmem:s21], [sflag:$0x3] =	stream.indirect.gather [hbm4b:s5+s19], $0x80, s4, s19, $0xb8;
	[tilespmem:$0x1E900] =	vst v63  }
0x27: {  	s15 =	simm.s32 $0x100;
	_ =	swait.ge [sflag:s22], $0x80  }
0x28: {  	s30 =	sand.u32 $0x7C00, s15;
	[sflag:s22] =	ssyncset.done $0x0  }
0x29: {  	s0 =	sand.u32 $0x300, s15;
	s1 =	sadd.s32 s6, s30;
	[sflag:s22] =	ssyncadd.s32 $0xFFFFFF80  }
0x2a: {  	[tilespmem:s23], [sflag:$0x4] =	stream.indirect.gather [hbm4b:s5+s19], $0x80, s19, s19, $0xb8;
	[tilespmem:$0x1E900] =	vst v63  }
0x2b: {  	s0 =	sor.u32 s0, s1;
	_ =	swait.ge [sflag:s24], $0x4000  }
0x2c: {  	s7 =	simm.s32 $0x180;
	s0 =	sshrl.u32 s0, $0x3;
	[sflag:s24] =	ssyncset.done $0x0  }
0x2d: {  	s15 =	sand.u32 $0x7C00, s7;
	s0 =	sadd.s32 s2, s0;
	[sflag:s24] =	ssyncadd.s32 $0xFFFFC000  }
0x2e: {  	[tilespmem:s4], [sflag:$0x1] =	stream.linear.gather [hbm4b:s0+s4], $0x80, $0x38;
	[tilespmem:$0x1E900] =	vst v63  }
0x2f: {  	s15 =	sadd.s32 s6, s15;
	s30 =	sand.u32 $0x380, s7;
	s9 =	simm.s32 $0x100  }
0x30: {  	[spmem:s3] =	stream.indirect.scatter.add.f32 [tilespmem:s21], [sflag:$0x5], $0x80, s9, s19, $0xb8;
	[tilespmem:$0x1E900] =	vst v63  }
0x31: {  	s0 =	sor.u32 s30, s15;
	_ =	swait.ge [sflag:s25], $0x4000  }
0x32: {  	s0 =	sshrl.u32 s0, $0x3;
	[sflag:s25] =	ssyncset.done $0x0  }
0x33: {  	s0 =	sadd.s32 s2, s0;
	[sflag:s25] =	ssyncadd.s32 $0xFFFFC000  }
0x34: {  	[tilespmem:s19], [sflag:$0x2] =	stream.linear.gather [hbm4b:s0+s4], $0x80, $0x38;
	[tilespmem:$0x1E900] =	vst v63  }
0x35: {  	_ = 	snop  }
0x36: {  	[spmem:s3] =	stream.indirect.scatter.add.f32 [tilespmem:s23], [sflag:$0x6], $0x80, s7, s19, $0xb8;
	[tilespmem:$0x1E900] =	vst v63  }
0x37: {  	_ =	swait.ge [sflag:s26], $0x4000  }
0x38: {  	[sflag:s26] =	ssyncset.done $0x0  }
0x39: {  	[sflag:s26] =	ssyncadd.s32 $0xFFFFC000  }
0x3a: {  	_ =	swait.ge [sflag:s20], $0x80  }
0x3b: {  	[sflag:s20] =	ssyncset.done $0x0  }
0x3c: {  	[sflag:s20] =	ssyncadd.s32 $0xFFFFFF80  }
0x3d: {  	[tilespmem:s21], [sflag:$0x3] =	stream.indirect.gather [hbm4b:s5+s19], $0x80, s4, s19, $0xb8;
	[tilespmem:$0x1E900] =	vst v63  }
0x3e: {  	s29 =	simm.s32 $0x200;
	s1 =	simm.s32 $0x280;
	_ =	swait.ge [sflag:s28], $0x4000  }
0x3f: {  	s15 =	simm.s32 $0x380;
	s0 =	simm.s32 $0x280;
	[sflag:s28] =	ssyncset.done $0x0  }
.LBB2_2:
0x40: {  	s7 =	sand.u32 $0x7C00, s29  }
0x41: {  	[sflag:s28] =	ssyncadd.s32 $0xFFFFC000;
	s9 =	smov.u32 s15;
	s30 =	sadd.s32 $0x100, s15  }
0x42: {  	s29 =	sand.u32 $0x300, s29;
	s7 =	sadd.s32 s6, s7;
	_ =	swait.ge [sflag:s22], $0x80  }
0x43: {  	p0 =	sne.s32 s15, $0x2780;
	s7 =	sor.u32 s29, s7;
	[sflag:s22] =	ssyncset.done $0x0  }
0x44: {  	s7 =	sshrl.u32 s7, $0x3;
	[sflag:s22] =	ssyncadd.s32 $0xFFFFFF80  }
0x45: {  	[tilespmem:s23], [sflag:$0x4] =	stream.indirect.gather [hbm4b:s5+s19], $0x80, s19, s19, $0xb8;
	[tilespmem:$0x1E900] =	vst v63  }
0x46: {  	_ =	swait.ge [sflag:s24], $0x4000  }
0x47: {  	[sflag:s24] =	ssyncset.done $0x0  }
0x48: {  	s7 =	sadd.s32 s2, s7;
	[sflag:s24] =	ssyncadd.s32 $0xFFFFC000  }
0x49: {  	[tilespmem:s4], [sflag:$0x1] =	stream.linear.gather [hbm4b:s7+s4], $0x80, $0x38;
	[tilespmem:$0x1E900] =	vst v63  }
0x4a: {  	s15 =	sand.u32 $0x7C00, s0;
	s7 =	sadd.s32 $0xFFFFFF80, s1  }
0x4b: {  	[spmem:s3] =	stream.indirect.scatter.add.f32 [tilespmem:s21], [sflag:$0x5], $0x80, s7, s19, $0xb8;
	[tilespmem:$0x1E900] =	vst v63  }
0x4c: {  	s7 =	sadd.s32 s6, s15;
	s15 =	sand.u32 $0x380, s0;
	s0 =	smov.u32 s9  }
0x4d: {  	s7 =	sor.u32 s15, s7;
	_ =	swait.ge [sflag:s25], $0x4000  }
0x4e: {  	s7 =	sshrl.u32 s7, $0x3;
	[sflag:s25] =	ssyncset.done $0x0  }
0x4f: {  	s7 =	sadd.s32 s2, s7;
	[sflag:s25] =	ssyncadd.s32 $0xFFFFC000  }
0x50: {  	[tilespmem:s19], [sflag:$0x2] =	stream.linear.gather [hbm4b:s7+s4], $0x80, $0x38;
	[tilespmem:$0x1E900] =	vst v63  }
0x51: {  	_ = 	snop  }
0x52: {  	[spmem:s3] =	stream.indirect.scatter.add.f32 [tilespmem:s23], [sflag:$0x6], $0x80, s1, s19, $0xb8;
	[tilespmem:$0x1E900] =	vst v63  }
0x53: {  	_ =	swait.ge [sflag:s26], $0x4000  }
0x54: {  	[sflag:s26] =	ssyncset.done $0x0  }
0x55: {  	[sflag:s26] =	ssyncadd.s32 $0xFFFFC000  }
0x56: {  	_ =	swait.ge [sflag:s20], $0x80  }
.Ltmp0:
0x57: {  	[sflag:s20] =	ssyncset.done $0x0;
	(pc) =	sbr.rel @p0 .LBB2_2-.Ltmp0, $4  }
0x58: {  	[sflag:s20] =	ssyncadd.s32 $0xFFFFFF80  }
0x59: {  	[tilespmem:s21], [sflag:$0x3] =	stream.indirect.gather [hbm4b:s5+s19], $0x80, s4, s19, $0xb8;
	[tilespmem:$0x1E900] =	vst v63  }
0x5a: {  	s29 =	sadd.s32 $0xFFFFFF80, s0;
	_ =	swait.ge [sflag:s28], $0x4000  }
0x5b: {  	s15 =	smov.u32 s30;
	s1 =	sadd.s32 $0x100, s1;
	[sflag:s28] =	ssyncset.done $0x0  }
0x5c: {  	[sflag:s28] =	ssyncadd.s32 $0xFFFFC000  }
0x5d: {  	_ =	swait.ge [sflag:s22], $0x80  }
0x5e: {  	s7 =	sand.u32 $0x7C00, s29;
	[sflag:s22] =	ssyncset.done $0x0  }
0x5f: {  	s9 =	sand.u32 $0x300, s29;
	s7 =	sadd.s32 s6, s7;
	[sflag:s22] =	ssyncadd.s32 $0xFFFFFF80  }
0x60: {  	[tilespmem:s23], [sflag:$0x4] =	stream.indirect.gather [hbm4b:s5+s19], $0x80, s19, s19, $0xb8;
	[tilespmem:$0x1E900] =	vst v63  }
0x61: {  	s7 =	sor.u32 s9, s7;
	_ =	swait.ge [sflag:s24], $0x4000  }
0x62: {  	s7 =	sshrl.u32 s7, $0x3;
	[sflag:s24] =	ssyncset.done $0x0  }
0x63: {  	s9 =	sand.u32 $0x7C00, s0;
	s7 =	sadd.s32 s2, s7;
	[sflag:s24] =	ssyncadd.s32 $0xFFFFC000  }
0x64: {  	[tilespmem:s4], [sflag:$0x1] =	stream.linear.gather [hbm4b:s7+s4], $0x80, $0x38;
	[tilespmem:$0x1E900] =	vst v63  }
0x65: {  	s30 =	sadd.s32 $0xFFFFFF80, s1;
	s15 =	sand.u32 $0x380, s0;
	s7 =	sadd.s32 s6, s9  }
0x66: {  	[spmem:s3] =	stream.indirect.scatter.add.f32 [tilespmem:s21], [sflag:$0x5], $0x80, s30, s19, $0xb8;
	[tilespmem:$0x1E900] =	vst v63  }
0x67: {  	s0 =	sor.u32 s15, s7;
	_ =	swait.ge [sflag:s25], $0x4000  }
0x68: {  	s0 =	sshrl.u32 s0, $0x3;
	[sflag:s25] =	ssyncset.done $0x0  }
0x69: {  	s0 =	sadd.s32 s2, s0;
	[sflag:s25] =	ssyncadd.s32 $0xFFFFC000  }
0x6a: {  	[tilespmem:s19], [sflag:$0x2] =	stream.linear.gather [hbm4b:s0+s4], $0x80, $0x38;
	[tilespmem:$0x1E900] =	vst v63  }
0x6b: {  	_ = 	snop  }
0x6c: {  	[spmem:s3] =	stream.indirect.scatter.add.f32 [tilespmem:s23], [sflag:$0x6], $0x80, s1, s19, $0xb8;
	[tilespmem:$0x1E900] =	vst v63  }
0x6d: {  	_ =	swait.ge [sflag:s26], $0x4000  }
0x6e: {  	[sflag:s26] =	ssyncset.done $0x0  }
0x6f: {  	[sflag:s26] =	ssyncadd.s32 $0xFFFFC000  }
0x70: {  	_ =	swait.ge [sflag:s20], $0x80  }
0x71: {  	[sflag:s20] =	ssyncset.done $0x0  }
0x72: {  	[sflag:s20] =	ssyncadd.s32 $0xFFFFFF80  }
0x73: {  	[tilespmem:s21], [sflag:$0x3] =	stream.indirect.gather [hbm4b:s5+s19], $0x80, s4, s19, $0xb8;
	[tilespmem:$0x1E900] =	vst v63  }
0x74: {  	_ =	swait.ge [sflag:s28], $0x4000  }
0x75: {  	[sflag:s28] =	ssyncset.done $0x0  }
0x76: {  	[sflag:s28] =	ssyncadd.s32 $0xFFFFC000  }
0x77: {  	_ =	swait.ge [sflag:s22], $0x80  }
0x78: {  	[sflag:s22] =	ssyncset.done $0x0  }
0x79: {  	[sflag:s22] =	ssyncadd.s32 $0xFFFFFF80  }
0x7a: {  	[tilespmem:s23], [sflag:$0x4] =	stream.indirect.gather [hbm4b:s5+s19], $0x80, s19, s19, $0xb8;
	[tilespmem:$0x1E900] =	vst v63  }
0x7b: {  	_ =	swait.ge [sflag:s24], $0x4000  }
0x7c: {  	[sflag:s24] =	ssyncset.done $0x0  }
0x7d: {  	[sflag:s24] =	ssyncadd.s32 $0xFFFFC000  }
0x7e: {  	[tilespmem:s4], [sflag:$0x1] =	stream.linear.gather [hbm4b:s13+s4], $0x80, $0x38;
	[tilespmem:$0x1E900] =	vst v63  }
0x7f: {  	s29 =	simm.s32 $0x2800  }
0x80: {  	[spmem:s3] =	stream.indirect.scatter.add.f32 [tilespmem:s21], [sflag:$0x5], $0x80, s29, s19, $0xb8;
	[tilespmem:$0x1E900] =	vst v63  }
0x81: {  	_ =	swait.ge [sflag:s25], $0x4000  }
0x82: {  	[sflag:s25] =	ssyncset.done $0x0  }
0x83: {  	[sflag:s25] =	ssyncadd.s32 $0xFFFFC000  }
0x84: {  	[tilespmem:s19], [sflag:$0x2] =	stream.linear.gather [hbm4b:s14+s4], $0x80, $0x38;
	[tilespmem:$0x1E900] =	vst v63  }
0x85: {  	s30 =	simm.s32 $0x2880  }
0x86: {  	[spmem:s3] =	stream.indirect.scatter.add.f32 [tilespmem:s23], [sflag:$0x6], $0x80, s30, s19, $0xb8;
	[tilespmem:$0x1E900] =	vst v63  }
0x87: {  	_ =	swait.ge [sflag:s26], $0x4000  }
0x88: {  	[sflag:s26] =	ssyncset.done $0x0  }
0x89: {  	[sflag:s26] =	ssyncadd.s32 $0xFFFFC000  }
0x8a: {  	_ =	swait.ge [sflag:s20], $0x80  }
0x8b: {  	[sflag:s20] =	ssyncset.done $0x0  }
0x8c: {  	[sflag:s20] =	ssyncadd.s32 $0xFFFFFF80  }
0x8d: {  	_ =	swait.ge [sflag:s28], $0x4000  }
0x8e: {  	[sflag:s28] =	ssyncset.done $0x0  }
0x8f: {  	[sflag:s28] =	ssyncadd.s32 $0xFFFFC000  }
0x90: {  	_ =	swait.ge [sflag:s22], $0x80  }
0x91: {  	s31 =	sadd.s32 $0x1, s31;
	[sflag:s22] =	ssyncset.done $0x0  }
0x92: {  	p0 =	sne.s32 s31, s12;
	[sflag:s22] =	ssyncadd.s32 $0xFFFFFF80  }
.Ltmp1:
0x93: {  	[bflag:$0x0] =	sbarrier.arrive $0xFFFF;
	(pc) =	sbr.rel @p0 .LBB2_1-.Ltmp1, $4  }
0x94: {  	[hbm:s11], [sflag:s17] =	dma.local [spmem:s18], $0x2800  }
0x95: {  	_ =	swait.ge [sflag:s16], $0x2800  }
0x96: {  	[sflag:s16] =	ssyncset.done $0x0  }
0x97: {  	[sflag:s16] =	ssyncadd.s32 $0xFFFFD800  }
0x98: {  	_ =	sfence.sel $0x180000  }
0x99: {  	[bflag:$0x0] =	sbarrier.arrive $0xFFFF  }
0x9a: {  	_ =	strace $0x9000004A  }
0x9b: {  	s0 =	stileid.u32;
	[bflag:$0x2] =	sbarrier.arrive $0xFFFF  }
0x9c: {  	p0 =	sne.s32 s0, $0x0;
	s0 =	rddreg [dreg:$0x3]  }
0x9d: {  	s0 =	sadd.s32 @!p0 $0x100000, s0  }
0x9e: {  	[sflag:s0] =	ssyncadd.tile.s32 @!p0 $0x1;
	_ =	shalt  }
.Lfunc_end2:
_tile_overlayer_lowered:
.L_overlay_start_2:
0x9f: {  	(tag) =	ssettag $0x2  }
0xa0: {  	s0 =	rddreg [dreg:$0x0];
	s2 =	stileid.u32  }
0xa1: {  	s1 =	rddreg [dreg:$0x1];
	p0 =	sne.s32 s2, $0x0  }
0xa2: {  	s3 =	rddreg [dreg:$0x2];
	[bflag:$0x3] =	sbarrier.arrive $0xFFFF;
	s2 =	simm.s32 @!p0 $0x1C07  }
0xa3: {  	[timem:s3], [sflag:s2] =	dma.local @!p0 [hbm:s0], s1  }
0xa4: {  	s0 =	simm.s32 @!p0 $0x7  }
0xa5: {  	_ =	swait.ge @!p0 [sflag:s0], s1  }
0xa6: {  	s1 =	ssub.s32 @!p0 $0x0, s1;
	[sflag:s0] =	ssyncset.done @!p0 $0x0  }
0xa7: {  	[sflag:s0] =	ssyncadd.s32 @!p0 s1  }
0xa8: {  	[bflag:$0x3] =	sbarrier.arrive $0xFFFF  }
0xa9: {  	_ =	shalt  }

// kernel: kernel.14.cloned.1.call-start
scs
__scs_entry_jumppad:
0x0: {  	(pc) =	sbr.rel $0x88, $3  }
0x1: {  	(tag) =	ssettag $0x0;
	lr =	simm.s32 $0x1  }
0x2: {  	[smem:$0x3F9B] =	sst lr;
	_ =	strace $0xD0000000  }
0x3: {  	_ = 	snop  }
0x4: {  	_ = 	snop  }
0x5: {  	_ = 	snop  }
0x6: {  	_ = 	snop  }
0x7: {  	_ = 	snop  }
__scs_overlays_trampoline_lowered:
0x8: {  	[smem:$0x3FAA] =	sst s0  }
0x9: {  	[smem:$0x3FAB] =	sst s1  }
0xa: {  	[smem:$0x3FAC] =	sst s2  }
0xb: {  	[smem:$0x3FAD] =	sst s3  }
0xc: {  	[smem:$0x3FAE] =	sst s4  }
0xd: {  	[smem:$0x3FAF] =	sst s5  }
0xe: {  	[smem:$0x3FB0] =	sst s6  }
0xf: {  	[smem:$0x3FB1] =	sst s7  }
0x10: {  	[smem:$0x3FB2] =	sst s8  }
0x11: {  	[smem:$0x3FB3] =	sst s9;
	s0 =	simm.s32 @!p0 $0x0  }
0x12: {  	s1 =	sld [smem:$0x3F99];
	s0 =	simm.s32 @p0 $0x1  }
0x13: {  	[smem:$0x3FB4] =	sst s0;
	s0 =	simm.s32 @!p1 $0x0  }
0x14: {  	s2 =	sld [smem:$0x3F98];
	s0 =	simm.s32 @p1 $0x1  }
0x15: {  	[smem:$0x3FB5] =	sst s0;
	s0 =	simm.s32 @!p2 $0x0  }
0x16: {  	s3 =	sld [smem:$0x3FDB];
	s0 =	simm.s32 @p2 $0x1  }
0x17: {  	s4 =	simm.s32 $0x1BF5;
	[smem:$0x3FB7] =	sst s0  }
0x18: {  	s0 =	sld [smem:$0x3F9A];
	_ =	swait.ge [sflag:s4], $0x0  }
0x19: {  	s7 =	sld [smem:$0x3F9B]  }
0x1a: {  	s8 =	sadd.s32 $0xFFFFE003, lr  }
0x1b: {  	s9 =	sadd.s32 $0xFFFFFEF7, lr;
	s5 =	simm.s32 $0xFFFFFFFF;
	p2 =	slt.u32 s8, $0xFFFFF086  }
0x1c: {  	p1 =	slt.u32 s9, $0xF7A;
	s5 =	simm.s32 @!p2 $0x0  }
0x1d: {  	s5 =	simm.s32 @p1 $0x1;
	p0 =	seq.s32 s7, s2  }
0x1e: {  	s7 =	smul.u32 @!p0 $0xF7A, s2;
	p2 =	seq.s32 @!p0 s5, $0x0  }
0x1f: {  	s9 =	smul.u32 $0xF7A, s1;
	s8 =	simm.s32 @!p0 $0x1BF5;
	p2 =	por !p2, p0  }
0x20: {  	[sflag:s8] =	ssyncset.s32 @!p0 $0xFFFFF086;
	s6 =	sadd.s32 @!p0 s3, s7;
	s7 =	simm.s32 @!p0 $0x108  }
0x21: {  	s3 =	sadd.s32 s3, s9;
	s6 =	sadd.s32 @!p0 $0x88, s6;
	s7 =	simm.s32 @p2 $0x1082  }
0x22: {  	[simem:s7], [sflag:s8] =	dma.local @!p0 [hbm:s6], $0xF7A  }
0x23: {  	s9 =	sor.u32 $0xD0000000, s2;
	s6 =	simm.s32 $0x108;
	_ =	swait.ge @!p0 [sflag:s8], $0x0  }
0x24: {  	s3 =	sadd.s32 $0x88, s3;
	s6 =	simm.s32 @!p1 $0x1082;
	[sflag:s4] =	ssyncset.s32 $0xFFFFF086  }
0x25: {  	[simem:s6], [sflag:s4] =	dma.local [hbm:s3], $0xF7A  }
0x26: {  	[smem:$0x3F9B] =	sst s1;
	(tag) =	ssettag s2;
	_ =	strace s9  }
0x27: {  	s1 =	sld [smem:$0x3FAB]  }
0x28: {  	s2 =	sld [smem:$0x3FAC]  }
0x29: {  	s4 =	sld [smem:$0x3FAE]  }
0x2a: {  	p0 =	seq.s32 s5, $0x0;
	s5 =	sld [smem:$0x3FAF]  }
0x2b: {  	s6 =	sld [smem:$0x3FB0]  }
0x2c: {  	s7 =	sld [smem:$0x3FB1]  }
0x2d: {  	s3 =	simm.s32 $0x108;
	s8 =	sld [smem:$0x3FB2]  }
0x2e: {  	s3 =	simm.s32 @!p0 $0x1082;
	s9 =	sld [smem:$0x3FB3]  }
0x2f: {  	lr =	sadd.s32 s0, s3;
	s0 =	sld [smem:$0x3FAA]  }
0x30: {  	s3 =	sld [smem:$0x3FAD]  }
0x31: {  	[smem:$0x3FB6] =	sst s10  }
0x32: {  	s10 =	sld [smem:$0x3FB4];
	_ =	sdelay $0x3  }
0x33: {  	p0 =	seq.s32 s10, $0x1;
	s10 =	sld [smem:$0x3FB6];
	_ =	sdelay $0x3  }
0x34: {  	[smem:$0x3FB6] =	sst s10  }
0x35: {  	s10 =	sld [smem:$0x3FB5];
	_ =	sdelay $0x3  }
0x36: {  	p1 =	seq.s32 s10, $0x1;
	s10 =	sld [smem:$0x3FB6];
	_ =	sdelay $0x3  }
0x37: {  	[smem:$0x3FB6] =	sst s10  }
0x38: {  	s10 =	sld [smem:$0x3FB7]  }
0x39: {  	_ = 	snop;
	(pc) =	sbr.ind lr, $3  }
0x3a: {  	_ = 	snop  }
0x3b: {  	_ = 	snop  }
0x3c: {  	p2 =	seq.s32 s10, $0x1;
	s10 =	sld [smem:$0x3FB6]  }
0x3d: {  	_ =	shalt  }
0x3e: {  	_ =	shalt  }
0x3f: {  	_ =	shalt  }
0x40: {  	_ =	shalt  }
0x41: {  	_ =	shalt  }
0x42: {  	_ =	shalt  }
0x43: {  	_ =	shalt  }
0x44: {  	_ =	shalt  }
0x45: {  	_ =	shalt  }
0x46: {  	_ =	shalt  }
0x47: {  	_ =	shalt  }
0x48: {  	_ =	shalt  }
0x49: {  	_ =	shalt  }
0x4a: {  	_ =	shalt  }
0x4b: {  	_ =	shalt  }
0x4c: {  	_ =	shalt  }
0x4d: {  	_ =	shalt  }
0x4e: {  	_ =	shalt  }
0x4f: {  	_ =	shalt  }
0x50: {  	_ =	shalt  }
0x51: {  	_ =	shalt  }
0x52: {  	_ =	shalt  }
0x53: {  	_ =	shalt  }
0x54: {  	_ =	shalt  }
0x55: {  	_ =	shalt  }
0x56: {  	_ =	shalt  }
0x57: {  	_ =	shalt  }
0x58: {  	_ =	shalt  }
0x59: {  	_ =	shalt  }
0x5a: {  	_ =	shalt  }
0x5b: {  	_ =	shalt  }
0x5c: {  	_ =	shalt  }
0x5d: {  	_ =	shalt  }
0x5e: {  	_ =	shalt  }
0x5f: {  	_ =	shalt  }
0x60: {  	_ =	shalt  }
0x61: {  	_ =	shalt  }
0x62: {  	_ =	shalt  }
0x63: {  	_ =	shalt  }
0x64: {  	_ =	shalt  }
0x65: {  	_ =	shalt  }
0x66: {  	_ =	shalt  }
0x67: {  	_ =	shalt  }
0x68: {  	_ =	shalt  }
0x69: {  	_ =	shalt  }
0x6a: {  	_ =	shalt  }
0x6b: {  	_ =	shalt  }
0x6c: {  	_ =	shalt  }
0x6d: {  	_ =	shalt  }
0x6e: {  	_ =	shalt  }
0x6f: {  	_ =	shalt  }
0x70: {  	_ =	shalt  }
0x71: {  	_ =	shalt  }
0x72: {  	_ =	shalt  }
0x73: {  	_ =	shalt  }
0x74: {  	_ =	shalt  }
0x75: {  	_ =	shalt  }
0x76: {  	_ =	shalt  }
0x77: {  	_ =	shalt  }
0x78: {  	_ =	shalt  }
0x79: {  	_ =	shalt  }
0x7a: {  	_ =	shalt  }
0x7b: {  	_ =	shalt  }
0x7c: {  	_ =	shalt  }
0x7d: {  	_ =	shalt  }
0x7e: {  	_ =	shalt  }
0x7f: {  	_ =	shalt  }
0x80: {  	_ =	shalt  }
0x81: {  	_ =	shalt  }
0x82: {  	_ =	shalt  }
0x83: {  	_ =	shalt  }
0x84: {  	_ =	shalt  }
0x85: {  	_ =	shalt  }
0x86: {  	_ =	shalt  }
0x87: {  	_ =	shalt  }
.Lfunc_end0:
.L_simem_size_0:
called_computation.2_lowered:
.L_overlay_start_0:
0x88: {  	s2 =	sld [smem:$0x3FD9]  }
0x89: {  	s3 =	sld [smem:$0x3FFE];
	_ =	sdelay $0x1  }
0x8a: {  	s1 =	srdreg.scid  }
0x8b: {  	s0 =	sand.u32 $0x1, s1  }
0x8c: {  	s17 =	sshll.u32 s0, $0xA;
	s2 =	sadd.s32 s3, s2  }
0x8d: {  	s2 =	sadd.s32 s2, s17  }
0x8e: {  	[smem:$0x3FC2] =	sst s2  }
0x8f: {  	_ = 	snop  }
0x90: {  	s2 =	sld [smem:$0x3FD0];
	(tm) =	ssettm $0x1  }
0x91: {  	s18 =	sld [smem:$0x3FFB];
	_ =	sdelay $0x3  }
0x92: {  	_ =	strace s18  }
0x93: {  	s3 =	sld [smem:$0x3FFC];
	_ =	sdelay $0x3  }
0x94: {  	_ =	strace s3  }
0x95: {  	s3 =	sld [smem:$0x3FFD];
	_ =	sdelay $0x3  }
0x96: {  	_ =	strace s3  }
0x97: {  	_ =	strace $0x8FFFFFFF  }
0x98: {  	s19 =	sld [smem:$0x3FDB];
	_ =	sdelay $0x1  }
0x99: {  	s4 =	simm.s32 $_scs_section_size  }
0x9a: {  	s5 =	simm.s32 $_size__tile_overlayer_lowered;
	s6 =	simm.s32 $_tile_overlayer_lowered  }
0x9b: {  	s22 =	simm.s32 $0x1BFF;
	s21 =	sshll.u32 s6, $0x1;
	s3 =	sadd.s32 s4, s19  }
0x9c: {  	s7 =	simm.s32 $0x0;
	s20 =	sshll.u32 s5, $0x1;
	s5 =	sadd.s32 s21, s3  }
0x9d: {  	[timem:s7], [sflag:s22] =	dma.local [hbm:s5], s20  }
0x9e: {  	_ =	swait.ge [sflag:s22], s20  }
0x9f: {  	s4 =	ssub.s32 $0x0, s20;
	[sflag:s22] =	ssyncset.done $0x0  }
0xa0: {  	[sflag:s22] =	ssyncadd.s32 s4;
	_ =	sdelay $0x1  }
0xa1: {  	s23 =	simm.s32 $0x1B8B  }
0xa2: {  	_ =	swait.ge [sflag:s23], $0x1  }
0xa3: {  	[sflag:s23] =	ssyncset.done $0x0  }
0xa4: {  	s25 =	simm.s32 $0x1B8E;
	s24 =	sld [smem:$0x3FFE];
	[sflag:s23] =	ssyncadd.s32 $0xFFFFFFFF  }
0xa5: {  	s26 =	simm.s32 $execute0_lowered;
	[smem:$0x3FD2] =	sst s25  }
0xa6: {  	s5 =	sshll.u32 s26, $0x1;
	_ =	strace $0x8000004C;
	[dreg:$0x1] =	wrdreg $0xFFFFFFFF  }
0xa7: {  	s28 =	simm.s32 $_size_execute0_lowered;
	s3 =	sadd.s32 s3, s5;
	[dreg:$0x0] =	wrdreg $0x0  }
0xa8: {  	s5 =	sshll.u32 s28, $0x1;
	[dreg:$0x2] =	wrdreg s3  }
0xa9: {  	[dreg:$0x3] =	wrdreg s5  }
0xaa: {  	[dreg:$0x4] =	wrdreg $0xC0  }
0xab: {  	_ =	task [dreg:s7], $0x5FFFF  }
0xac: {  	[dreg:$0x1] =	wrdreg $0xFFFFFFFF  }
0xad: {  	[dreg:$0x0] =	wrdreg $0x60  }
0xae: {  	[dreg:$0x2] =	wrdreg s24  }
0xaf: {  	[dreg:$0x3] =	wrdreg s2  }
0xb0: {  	[dreg:$0x4] =	wrdreg $0xA9000  }
0xb1: {  	[dreg:$0x5] =	wrdreg $0x9  }
0xb2: {  	_ =	task.clear_ibuf [dreg:s7], $0x6FFFF;
	_ =	strace $0x9000004C  }
0xb3: {  	s29 =	simm.s32 $0x9;
	_ =	strace $0x8000004E  }
0xb4: {  	_ =	swait.ge [sflag:s29], $0x1  }
0xb5: {  	[sflag:s29] =	ssyncadd.s32 $0xFFFFFFFF  }
0xb6: {  	_ =	strace $0x9000004E  }
0xb7: {  	_ =	sfence  }
0xb8: {  	s30 =	sld [smem:$0x0];
	_ =	sdelay $0x2  }
0xb9: {  	s31 =	sshll.u32 s1, $0xD;
	s1 =	sshrl.u32 s1, $0x2  }
0xba: {  	s3 =	sand.u32 $0x4000, s31;
	s1 =	sadd.s32 s1, s30  }
0xbb: {  	s0 =	sor.u32 s3, s0;
	s1 =	sshll.u32 s1, $0x11  }
0xbc: {  	s0 =	sor.u32 s1, s0  }
0xbd: {  	s0 =	sadd.s32 $0x8F2B, s0  }
0xbe: {  	[sflag:s0] =	ssyncadd.remote.s32 $0x1  }
0xbf: {  	_ =	sfence.sel $0xFFFF  }
0xc0: {  	[dreg:$0x0] =	wrdreg $0xFFFFFFFF;
	(pc) =	sbr.abs _section_cstart, $3  }
0xc1: {  	[dreg:$0x1] =	wrdreg $0xFFFFFFFF  }
0xc2: {  	_ =	task.clear_ibuf [dreg:s7], $0x2FFFF;
	_ =	strace $0x9FFFFFFF  }
0xc3: {  	(tm) =	ssettm $0x7FFFFFFF  }
tec
execute0_lowered:
.L_overlay_start_1:
0x0: {  	(tag) =	ssettag $0x1  }
0x1: {  	s0 =	srdreg.scid  }
0x2: {  	s1 =	rddreg [dreg:$0x0];
	s17 =	stileid.u32  }
0x3: {  	s2 =	rddreg [dreg:$0x1];
	s4 =	simm.s32 $0x0;
	s16 =	simm.s32 $0x7  }
0x4: {  	s19 =	simm.s32 $0x80;
	s20 =	simm.s32 $0x1;
	s21 =	simm.s32 $0x2900  }
0x5: {  	s28 =	simm.s32 $0x6;
	s31 =	simm.s32 $0x0;
	s9 =	smul.u32 $0x14000, s17  }
0x6: {  	s0 =	sand.u32 $0x1, s0;
	[smem:$0x7FF] =	sst s4;
	s11 =	smul.u32 $0x50000, s17  }
0x7: {  	s5 =	sadd.s32 $0xBE00, s1;
	s15 =	sadd.s32 $0x33E00, s1;
	s24 =	smul.u32 $0x2800, s17  }
0x8: {  	s14 =	sadd.s32 $0x10, s2;
	s30 =	sshll.u32 s17, $0x6;
	s3 =	sshll.u32 s0, $0x4  }
0x9: {  	s8 =	smul.u32 $0x140000, s0;
	s22 =	ssub.s32 $0x2, s0;
	p0 =	seq.s32 s0, $0x1  }
0xa: {  	s6 =	sor.u32 s17, s3;
	s3 =	rddreg [dreg:$0x2];
	_ =	strace $0x8000004D  }
0xb: {  	s10 =	sshrl.u32 s22, $0x1;
	s23 =	sshrl.u32 s11, $0x2;
	s17 =	sor.u32 $0x1C07, s30  }
0xc: {  	s7 =	smul.u32 $0x500, s6;
	s8 =	sadd.s32 s9, s8;
	s12 =	ssub.s32 s22, s10  }
0xd: {  	s6 =	smul.u32 $0x2C00, s6;
	s25 =	sadd.s32 s23, s3;
	s22 =	simm.s32 $0x2  }
0xe: {  	s23 =	simm.s32 $0x6900;
	s8 =	sshrl.u32 s8, $0x3;
	s12 =	smax.u32 s12, $0x1  }
0xf: {  	s18 =	sshrl.u32 s25, $0x3;
	s25 =	simm.s32 $0x4;
	s7 =	sadd.s32 s7, s1  }
0x10: {  	s1 =	sadd.s32 s8, s1;
	s13 =	sshrl.u32 s6, $0x3;
	s8 =	sadd.s32 s5, s24  }
0x11: {  	s24 =	simm.s32 $0x3;
	s7 =	sadd.s32 $0x1E00, s7;
	s26 =	sadd.s32 s2, s13  }
0x12: {  	s10 =	sadd.s32 s13, s14;
	s11 =	sadd.s32 $0x36600, s1;
	[dreg:$0x4] =	wrdreg s7  }
0x13: {  	s29 =	sadd.s32 $0x500, s13;
	s8 =	smov.u32 @p0 s15;
	[dreg:$0x5] =	wrdreg s26  }
0x14: {  	s13 =	sadd.s32 s2, s29;
	s14 =	sadd.s32 s29, s14;
	s26 =	simm.s32 $0x5  }
.LBB2_1:
0x15: {  	s0 =	rddreg [dreg:$0x4];
	s1 =	simm.s32 $0x100  }
0x16: {  	[tilespmem:s1], [sflag:$0x7] =	stream.linear.gather [hbm4b:s0+s4], $0x2800, $0x38;
	[tilespmem:$0x1E900] =	vst v63  }
0x17: {  	_ =	swait.ge [sflag:s16], $0x2800  }
0x18: {  	[sflag:s16] =	ssyncset.done $0x0  }
0x19: {  	[sflag:s16] =	ssyncadd.s32 $0xFFFFD800  }
0x1a: {  	[spmem:s18], [sflag:s17] =	dma.local [hbm:s8], $0x2800  }
0x1b: {  	_ =	swait.ge [sflag:s16], $0x2800  }
0x1c: {  	[sflag:s16] =	ssyncset.done $0x0  }
0x1d: {  	[sflag:s16] =	ssyncadd.s32 $0xFFFFD800  }
0x1e: {  	[bflag:$0x0] =	sbarrier.arrive $0xFFFF  }
0x1f: {  	s9 =	rddreg [dreg:$0x5]  }
0x20: {  	[tilespmem:s4], [sflag:$0x1] =	stream.linear.gather [hbm4b:s9+s4], $0x80, $0x38;
	[tilespmem:$0x1E900] =	vst v63  }
0x21: {  	_ = 	snop  }
0x22: {  	[tilespmem:s19], [sflag:$0x2] =	stream.linear.gather [hbm4b:s10+s4], $0x80, $0x38;
	[tilespmem:$0x1E900] =	vst v63  }
0x23: {  	_ =	swait.ge [sflag:s20], $0x80  }
0x24: {  	[sflag:s20] =	ssyncset.done $0x0  }
0x25: {  	[sflag:s20] =	ssyncadd.s32 $0xFFFFFF80  }
0x26: {  	[tilespmem:s21], [sflag:$0x3] =	stream.indirect.gather [hbm4b:s5+s19], $0x80, s4, s19, $0xb8;
	[tilespmem:$0x1E900] =	vst v63  }
0x27: {  	s15 =	simm.s32 $0x100;
	_ =	swait.ge [sflag:s22], $0x80  }
0x28: {  	s30 =	sand.u32 $0x7C00, s15;
	[sflag:s22] =	ssyncset.done $0x0  }
0x29: {  	s0 =	sand.u32 $0x300, s15;
	s1 =	sadd.s32 s6, s30;
	[sflag:s22] =	ssyncadd.s32 $0xFFFFFF80  }
0x2a: {  	[tilespmem:s23], [sflag:$0x4] =	stream.indirect.gather [hbm4b:s5+s19], $0x80, s19, s19, $0xb8;
	[tilespmem:$0x1E900] =	vst v63  }
0x2b: {  	s0 =	sor.u32 s0, s1;
	_ =	swait.ge [sflag:s24], $0x4000  }
0x2c: {  	s7 =	simm.s32 $0x180;
	s0 =	sshrl.u32 s0, $0x3;
	[sflag:s24] =	ssyncset.done $0x0  }
0x2d: {  	s15 =	sand.u32 $0x7C00, s7;
	s0 =	sadd.s32 s2, s0;
	[sflag:s24] =	ssyncadd.s32 $0xFFFFC000  }
0x2e: {  	[tilespmem:s4], [sflag:$0x1] =	stream.linear.gather [hbm4b:s0+s4], $0x80, $0x38;
	[tilespmem:$0x1E900] =	vst v63  }
0x2f: {  	s15 =	sadd.s32 s6, s15;
	s30 =	sand.u32 $0x380, s7;
	s9 =	simm.s32 $0x100  }
0x30: {  	[spmem:s3] =	stream.indirect.scatter.add.f32 [tilespmem:s21], [sflag:$0x5], $0x80, s9, s19, $0xb8;
	[tilespmem:$0x1E900] =	vst v63  }
0x31: {  	s0 =	sor.u32 s30, s15;
	_ =	swait.ge [sflag:s25], $0x4000  }
0x32: {  	s0 =	sshrl.u32 s0, $0x3;
	[sflag:s25] =	ssyncset.done $0x0  }
0x33: {  	s0 =	sadd.s32 s2, s0;
	[sflag:s25] =	ssyncadd.s32 $0xFFFFC000  }
0x34: {  	[tilespmem:s19], [sflag:$0x2] =	stream.linear.gather [hbm4b:s0+s4], $0x80, $0x38;
	[tilespmem:$0x1E900] =	vst v63  }
0x35: {  	_ = 	snop  }
0x36: {  	[spmem:s3] =	stream.indirect.scatter.add.f32 [tilespmem:s23], [sflag:$0x6], $0x80, s7, s19, $0xb8;
	[tilespmem:$0x1E900] =	vst v63  }
0x37: {  	_ =	swait.ge [sflag:s26], $0x4000  }
0x38: {  	[sflag:s26] =	ssyncset.done $0x0  }
0x39: {  	[sflag:s26] =	ssyncadd.s32 $0xFFFFC000  }
0x3a: {  	_ =	swait.ge [sflag:s20], $0x80  }
0x3b: {  	[sflag:s20] =	ssyncset.done $0x0  }
0x3c: {  	[sflag:s20] =	ssyncadd.s32 $0xFFFFFF80  }
0x3d: {  	[tilespmem:s21], [sflag:$0x3] =	stream.indirect.gather [hbm4b:s5+s19], $0x80, s4, s19, $0xb8;
	[tilespmem:$0x1E900] =	vst v63  }
0x3e: {  	s29 =	simm.s32 $0x200;
	s1 =	simm.s32 $0x280;
	_ =	swait.ge [sflag:s28], $0x4000  }
0x3f: {  	s15 =	simm.s32 $0x380;
	s0 =	simm.s32 $0x280;
	[sflag:s28] =	ssyncset.done $0x0  }
.LBB2_2:
0x40: {  	s7 =	sand.u32 $0x7C00, s29  }
0x41: {  	[sflag:s28] =	ssyncadd.s32 $0xFFFFC000;
	s9 =	smov.u32 s15;
	s30 =	sadd.s32 $0x100, s15  }
0x42: {  	s29 =	sand.u32 $0x300, s29;
	s7 =	sadd.s32 s6, s7;
	_ =	swait.ge [sflag:s22], $0x80  }
0x43: {  	p0 =	sne.s32 s15, $0x2780;
	s7 =	sor.u32 s29, s7;
	[sflag:s22] =	ssyncset.done $0x0  }
0x44: {  	s7 =	sshrl.u32 s7, $0x3;
	[sflag:s22] =	ssyncadd.s32 $0xFFFFFF80  }
0x45: {  	[tilespmem:s23], [sflag:$0x4] =	stream.indirect.gather [hbm4b:s5+s19], $0x80, s19, s19, $0xb8;
	[tilespmem:$0x1E900] =	vst v63  }
0x46: {  	_ =	swait.ge [sflag:s24], $0x4000  }
0x47: {  	[sflag:s24] =	ssyncset.done $0x0  }
0x48: {  	s7 =	sadd.s32 s2, s7;
	[sflag:s24] =	ssyncadd.s32 $0xFFFFC000  }
0x49: {  	[tilespmem:s4], [sflag:$0x1] =	stream.linear.gather [hbm4b:s7+s4], $0x80, $0x38;
	[tilespmem:$0x1E900] =	vst v63  }
0x4a: {  	s15 =	sand.u32 $0x7C00, s0;
	s7 =	sadd.s32 $0xFFFFFF80, s1  }
0x4b: {  	[spmem:s3] =	stream.indirect.scatter.add.f32 [tilespmem:s21], [sflag:$0x5], $0x80, s7, s19, $0xb8;
	[tilespmem:$0x1E900] =	vst v63  }
0x4c: {  	s7 =	sadd.s32 s6, s15;
	s15 =	sand.u32 $0x380, s0;
	s0 =	smov.u32 s9  }
0x4d: {  	s7 =	sor.u32 s15, s7;
	_ =	swait.ge [sflag:s25], $0x4000  }
0x4e: {  	s7 =	sshrl.u32 s7, $0x3;
	[sflag:s25] =	ssyncset.done $0x0  }
0x4f: {  	s7 =	sadd.s32 s2, s7;
	[sflag:s25] =	ssyncadd.s32 $0xFFFFC000  }
0x50: {  	[tilespmem:s19], [sflag:$0x2] =	stream.linear.gather [hbm4b:s7+s4], $0x80, $0x38;
	[tilespmem:$0x1E900] =	vst v63  }
0x51: {  	_ = 	snop  }
0x52: {  	[spmem:s3] =	stream.indirect.scatter.add.f32 [tilespmem:s23], [sflag:$0x6], $0x80, s1, s19, $0xb8;
	[tilespmem:$0x1E900] =	vst v63  }
0x53: {  	_ =	swait.ge [sflag:s26], $0x4000  }
0x54: {  	[sflag:s26] =	ssyncset.done $0x0  }
0x55: {  	[sflag:s26] =	ssyncadd.s32 $0xFFFFC000  }
0x56: {  	_ =	swait.ge [sflag:s20], $0x80  }
.Ltmp0:
0x57: {  	[sflag:s20] =	ssyncset.done $0x0;
	(pc) =	sbr.rel @p0 .LBB2_2-.Ltmp0, $4  }
0x58: {  	[sflag:s20] =	ssyncadd.s32 $0xFFFFFF80  }
0x59: {  	[tilespmem:s21], [sflag:$0x3] =	stream.indirect.gather [hbm4b:s5+s19], $0x80, s4, s19, $0xb8;
	[tilespmem:$0x1E900] =	vst v63  }
0x5a: {  	s29 =	sadd.s32 $0xFFFFFF80, s0;
	_ =	swait.ge [sflag:s28], $0x4000  }
0x5b: {  	s15 =	smov.u32 s30;
	s1 =	sadd.s32 $0x100, s1;
	[sflag:s28] =	ssyncset.done $0x0  }
0x5c: {  	[sflag:s28] =	ssyncadd.s32 $0xFFFFC000  }
0x5d: {  	_ =	swait.ge [sflag:s22], $0x80  }
0x5e: {  	s7 =	sand.u32 $0x7C00, s29;
	[sflag:s22] =	ssyncset.done $0x0  }
0x5f: {  	s9 =	sand.u32 $0x300, s29;
	s7 =	sadd.s32 s6, s7;
	[sflag:s22] =	ssyncadd.s32 $0xFFFFFF80  }
0x60: {  	[tilespmem:s23], [sflag:$0x4] =	stream.indirect.gather [hbm4b:s5+s19], $0x80, s19, s19, $0xb8;
	[tilespmem:$0x1E900] =	vst v63  }
0x61: {  	s7 =	sor.u32 s9, s7;
	_ =	swait.ge [sflag:s24], $0x4000  }
0x62: {  	s7 =	sshrl.u32 s7, $0x3;
	[sflag:s24] =	ssyncset.done $0x0  }
0x63: {  	s9 =	sand.u32 $0x7C00, s0;
	s7 =	sadd.s32 s2, s7;
	[sflag:s24] =	ssyncadd.s32 $0xFFFFC000  }
0x64: {  	[tilespmem:s4], [sflag:$0x1] =	stream.linear.gather [hbm4b:s7+s4], $0x80, $0x38;
	[tilespmem:$0x1E900] =	vst v63  }
0x65: {  	s30 =	sadd.s32 $0xFFFFFF80, s1;
	s15 =	sand.u32 $0x380, s0;
	s7 =	sadd.s32 s6, s9  }
0x66: {  	[spmem:s3] =	stream.indirect.scatter.add.f32 [tilespmem:s21], [sflag:$0x5], $0x80, s30, s19, $0xb8;
	[tilespmem:$0x1E900] =	vst v63  }
0x67: {  	s0 =	sor.u32 s15, s7;
	_ =	swait.ge [sflag:s25], $0x4000  }
0x68: {  	s0 =	sshrl.u32 s0, $0x3;
	[sflag:s25] =	ssyncset.done $0x0  }
0x69: {  	s0 =	sadd.s32 s2, s0;
	[sflag:s25] =	ssyncadd.s32 $0xFFFFC000  }
0x6a: {  	[tilespmem:s19], [sflag:$0x2] =	stream.linear.gather [hbm4b:s0+s4], $0x80, $0x38;
	[tilespmem:$0x1E900] =	vst v63  }
0x6b: {  	_ = 	snop  }
0x6c: {  	[spmem:s3] =	stream.indirect.scatter.add.f32 [tilespmem:s23], [sflag:$0x6], $0x80, s1, s19, $0xb8;
	[tilespmem:$0x1E900] =	vst v63  }
0x6d: {  	_ =	swait.ge [sflag:s26], $0x4000  }
0x6e: {  	[sflag:s26] =	ssyncset.done $0x0  }
0x6f: {  	[sflag:s26] =	ssyncadd.s32 $0xFFFFC000  }
0x70: {  	_ =	swait.ge [sflag:s20], $0x80  }
0x71: {  	[sflag:s20] =	ssyncset.done $0x0  }
0x72: {  	[sflag:s20] =	ssyncadd.s32 $0xFFFFFF80  }
0x73: {  	[tilespmem:s21], [sflag:$0x3] =	stream.indirect.gather [hbm4b:s5+s19], $0x80, s4, s19, $0xb8;
	[tilespmem:$0x1E900] =	vst v63  }
0x74: {  	_ =	swait.ge [sflag:s28], $0x4000  }
0x75: {  	[sflag:s28] =	ssyncset.done $0x0  }
0x76: {  	[sflag:s28] =	ssyncadd.s32 $0xFFFFC000  }
0x77: {  	_ =	swait.ge [sflag:s22], $0x80  }
0x78: {  	[sflag:s22] =	ssyncset.done $0x0  }
0x79: {  	[sflag:s22] =	ssyncadd.s32 $0xFFFFFF80  }
0x7a: {  	[tilespmem:s23], [sflag:$0x4] =	stream.indirect.gather [hbm4b:s5+s19], $0x80, s19, s19, $0xb8;
	[tilespmem:$0x1E900] =	vst v63  }
0x7b: {  	_ =	swait.ge [sflag:s24], $0x4000  }
0x7c: {  	[sflag:s24] =	ssyncset.done $0x0  }
0x7d: {  	[sflag:s24] =	ssyncadd.s32 $0xFFFFC000  }
0x7e: {  	[tilespmem:s4], [sflag:$0x1] =	stream.linear.gather [hbm4b:s13+s4], $0x80, $0x38;
	[tilespmem:$0x1E900] =	vst v63  }
0x7f: {  	s29 =	simm.s32 $0x2800  }
0x80: {  	[spmem:s3] =	stream.indirect.scatter.add.f32 [tilespmem:s21], [sflag:$0x5], $0x80, s29, s19, $0xb8;
	[tilespmem:$0x1E900] =	vst v63  }
0x81: {  	_ =	swait.ge [sflag:s25], $0x4000  }
0x82: {  	[sflag:s25] =	ssyncset.done $0x0  }
0x83: {  	[sflag:s25] =	ssyncadd.s32 $0xFFFFC000  }
0x84: {  	[tilespmem:s19], [sflag:$0x2] =	stream.linear.gather [hbm4b:s14+s4], $0x80, $0x38;
	[tilespmem:$0x1E900] =	vst v63  }
0x85: {  	s30 =	simm.s32 $0x2880  }
0x86: {  	[spmem:s3] =	stream.indirect.scatter.add.f32 [tilespmem:s23], [sflag:$0x6], $0x80, s30, s19, $0xb8;
	[tilespmem:$0x1E900] =	vst v63  }
0x87: {  	_ =	swait.ge [sflag:s26], $0x4000  }
0x88: {  	[sflag:s26] =	ssyncset.done $0x0  }
0x89: {  	[sflag:s26] =	ssyncadd.s32 $0xFFFFC000  }
0x8a: {  	_ =	swait.ge [sflag:s20], $0x80  }
0x8b: {  	[sflag:s20] =	ssyncset.done $0x0  }
0x8c: {  	[sflag:s20] =	ssyncadd.s32 $0xFFFFFF80  }
0x8d: {  	_ =	swait.ge [sflag:s28], $0x4000  }
0x8e: {  	[sflag:s28] =	ssyncset.done $0x0  }
0x8f: {  	[sflag:s28] =	ssyncadd.s32 $0xFFFFC000  }
0x90: {  	_ =	swait.ge [sflag:s22], $0x80  }
0x91: {  	s31 =	sadd.s32 $0x1, s31;
	[sflag:s22] =	ssyncset.done $0x0  }
0x92: {  	p0 =	sne.s32 s31, s12;
	[sflag:s22] =	ssyncadd.s32 $0xFFFFFF80  }
.Ltmp1:
0x93: {  	[bflag:$0x0] =	sbarrier.arrive $0xFFFF;
	(pc) =	sbr.rel @p0 .LBB2_1-.Ltmp1, $4  }
0x94: {  	[hbm:s11], [sflag:s17] =	dma.local [spmem:s18], $0x2800  }
0x95: {  	_ =	swait.ge [sflag:s16], $0x2800  }
0x96: {  	[sflag:s16] =	ssyncset.done $0x0  }
0x97: {  	[sflag:s16] =	ssyncadd.s32 $0xFFFFD800  }
0x98: {  	_ =	sfence.sel $0x180000  }
0x99: {  	[bflag:$0x0] =	sbarrier.arrive $0xFFFF  }
0x9a: {  	_ =	strace $0x9000004D  }
0x9b: {  	s0 =	stileid.u32;
	[bflag:$0x2] =	sbarrier.arrive $0xFFFF  }
0x9c: {  	p0 =	sne.s32 s0, $0x0;
	s0 =	rddreg [dreg:$0x3]  }
0x9d: {  	s0 =	sadd.s32 @!p0 $0x100000, s0  }
0x9e: {  	[sflag:s0] =	ssyncadd.tile.s32 @!p0 $0x1;
	_ =	shalt  }
.Lfunc_end2:
_tile_overlayer_lowered:
.L_overlay_start_2:
0x9f: {  	(tag) =	ssettag $0x2  }
0xa0: {  	s0 =	rddreg [dreg:$0x0];
	s2 =	stileid.u32  }
0xa1: {  	s1 =	rddreg [dreg:$0x1];
	p0 =	sne.s32 s2, $0x0  }
0xa2: {  	s3 =	rddreg [dreg:$0x2];
	[bflag:$0x3] =	sbarrier.arrive $0xFFFF;
	s2 =	simm.s32 @!p0 $0x1C07  }
0xa3: {  	[timem:s3], [sflag:s2] =	dma.local @!p0 [hbm:s0], s1  }
0xa4: {  	s0 =	simm.s32 @!p0 $0x7  }
0xa5: {  	_ =	swait.ge @!p0 [sflag:s0], s1  }
0xa6: {  	s1 =	ssub.s32 @!p0 $0x0, s1;
	[sflag:s0] =	ssyncset.done @!p0 $0x0  }
0xa7: {  	[sflag:s0] =	ssyncadd.s32 @!p0 s1  }
0xa8: {  	[bflag:$0x3] =	sbarrier.arrive $0xFFFF  }
0xa9: {  	_ =	shalt  }

// kernel: kernel.8.cloned.1.call-start
scs
__scs_entry_jumppad:
0x0: {  	(pc) =	sbr.rel $0x88, $3  }
0x1: {  	(tag) =	ssettag $0x0;
	lr =	simm.s32 $0x1  }
0x2: {  	[smem:$0x3F9B] =	sst lr;
	_ =	strace $0xD0000000  }
0x3: {  	_ = 	snop  }
0x4: {  	_ = 	snop  }
0x5: {  	_ = 	snop  }
0x6: {  	_ = 	snop  }
0x7: {  	_ = 	snop  }
__scs_overlays_trampoline_lowered:
0x8: {  	[smem:$0x3FAA] =	sst s0  }
0x9: {  	[smem:$0x3FAB] =	sst s1  }
0xa: {  	[smem:$0x3FAC] =	sst s2  }
0xb: {  	[smem:$0x3FAD] =	sst s3  }
0xc: {  	[smem:$0x3FAE] =	sst s4  }
0xd: {  	[smem:$0x3FAF] =	sst s5  }
0xe: {  	[smem:$0x3FB0] =	sst s6  }
0xf: {  	[smem:$0x3FB1] =	sst s7  }
0x10: {  	[smem:$0x3FB2] =	sst s8  }
0x11: {  	[smem:$0x3FB3] =	sst s9;
	s0 =	simm.s32 @!p0 $0x0  }
0x12: {  	s1 =	sld [smem:$0x3F99];
	s0 =	simm.s32 @p0 $0x1  }
0x13: {  	[smem:$0x3FB4] =	sst s0;
	s0 =	simm.s32 @!p1 $0x0  }
0x14: {  	s2 =	sld [smem:$0x3F98];
	s0 =	simm.s32 @p1 $0x1  }
0x15: {  	[smem:$0x3FB5] =	sst s0;
	s0 =	simm.s32 @!p2 $0x0  }
0x16: {  	s3 =	sld [smem:$0x3FDB];
	s0 =	simm.s32 @p2 $0x1  }
0x17: {  	s4 =	simm.s32 $0x1BF5;
	[smem:$0x3FB7] =	sst s0  }
0x18: {  	s0 =	sld [smem:$0x3F9A];
	_ =	swait.ge [sflag:s4], $0x0  }
0x19: {  	s7 =	sld [smem:$0x3F9B]  }
0x1a: {  	s8 =	sadd.s32 $0xFFFFE003, lr  }
0x1b: {  	s9 =	sadd.s32 $0xFFFFFEF7, lr;
	s5 =	simm.s32 $0xFFFFFFFF;
	p2 =	slt.u32 s8, $0xFFFFF086  }
0x1c: {  	p1 =	slt.u32 s9, $0xF7A;
	s5 =	simm.s32 @!p2 $0x0  }
0x1d: {  	s5 =	simm.s32 @p1 $0x1;
	p0 =	seq.s32 s7, s2  }
0x1e: {  	s7 =	smul.u32 @!p0 $0xF7A, s2;
	p2 =	seq.s32 @!p0 s5, $0x0  }
0x1f: {  	s9 =	smul.u32 $0xF7A, s1;
	s8 =	simm.s32 @!p0 $0x1BF5;
	p2 =	por !p2, p0  }
0x20: {  	[sflag:s8] =	ssyncset.s32 @!p0 $0xFFFFF086;
	s6 =	sadd.s32 @!p0 s3, s7;
	s7 =	simm.s32 @!p0 $0x108  }
0x21: {  	s3 =	sadd.s32 s3, s9;
	s6 =	sadd.s32 @!p0 $0x88, s6;
	s7 =	simm.s32 @p2 $0x1082  }
0x22: {  	[simem:s7], [sflag:s8] =	dma.local @!p0 [hbm:s6], $0xF7A  }
0x23: {  	s9 =	sor.u32 $0xD0000000, s2;
	s6 =	simm.s32 $0x108;
	_ =	swait.ge @!p0 [sflag:s8], $0x0  }
0x24: {  	s3 =	sadd.s32 $0x88, s3;
	s6 =	simm.s32 @!p1 $0x1082;
	[sflag:s4] =	ssyncset.s32 $0xFFFFF086  }
0x25: {  	[simem:s6], [sflag:s4] =	dma.local [hbm:s3], $0xF7A  }
0x26: {  	[smem:$0x3F9B] =	sst s1;
	(tag) =	ssettag s2;
	_ =	strace s9  }
0x27: {  	s1 =	sld [smem:$0x3FAB]  }
0x28: {  	s2 =	sld [smem:$0x3FAC]  }
0x29: {  	s4 =	sld [smem:$0x3FAE]  }
0x2a: {  	p0 =	seq.s32 s5, $0x0;
	s5 =	sld [smem:$0x3FAF]  }
0x2b: {  	s6 =	sld [smem:$0x3FB0]  }
0x2c: {  	s7 =	sld [smem:$0x3FB1]  }
0x2d: {  	s3 =	simm.s32 $0x108;
	s8 =	sld [smem:$0x3FB2]  }
0x2e: {  	s3 =	simm.s32 @!p0 $0x1082;
	s9 =	sld [smem:$0x3FB3]  }
0x2f: {  	lr =	sadd.s32 s0, s3;
	s0 =	sld [smem:$0x3FAA]  }
0x30: {  	s3 =	sld [smem:$0x3FAD]  }
0x31: {  	[smem:$0x3FB6] =	sst s10  }
0x32: {  	s10 =	sld [smem:$0x3FB4];
	_ =	sdelay $0x3  }
0x33: {  	p0 =	seq.s32 s10, $0x1;
	s10 =	sld [smem:$0x3FB6];
	_ =	sdelay $0x3  }
0x34: {  	[smem:$0x3FB6] =	sst s10  }
0x35: {  	s10 =	sld [smem:$0x3FB5];
	_ =	sdelay $0x3  }
0x36: {  	p1 =	seq.s32 s10, $0x1;
	s10 =	sld [smem:$0x3FB6];
	_ =	sdelay $0x3  }
0x37: {  	[smem:$0x3FB6] =	sst s10  }
0x38: {  	s10 =	sld [smem:$0x3FB7]  }
0x39: {  	_ = 	snop;
	(pc) =	sbr.ind lr, $3  }
0x3a: {  	_ = 	snop  }
0x3b: {  	_ = 	snop  }
0x3c: {  	p2 =	seq.s32 s10, $0x1;
	s10 =	sld [smem:$0x3FB6]  }
0x3d: {  	_ =	shalt  }
0x3e: {  	_ =	shalt  }
0x3f: {  	_ =	shalt  }
0x40: {  	_ =	shalt  }
0x41: {  	_ =	shalt  }
0x42: {  	_ =	shalt  }
0x43: {  	_ =	shalt  }
0x44: {  	_ =	shalt  }
0x45: {  	_ =	shalt  }
0x46: {  	_ =	shalt  }
0x47: {  	_ =	shalt  }
0x48: {  	_ =	shalt  }
0x49: {  	_ =	shalt  }
0x4a: {  	_ =	shalt  }
0x4b: {  	_ =	shalt  }
0x4c: {  	_ =	shalt  }
0x4d: {  	_ =	shalt  }
0x4e: {  	_ =	shalt  }
0x4f: {  	_ =	shalt  }
0x50: {  	_ =	shalt  }
0x51: {  	_ =	shalt  }
0x52: {  	_ =	shalt  }
0x53: {  	_ =	shalt  }
0x54: {  	_ =	shalt  }
0x55: {  	_ =	shalt  }
0x56: {  	_ =	shalt  }
0x57: {  	_ =	shalt  }
0x58: {  	_ =	shalt  }
0x59: {  	_ =	shalt  }
0x5a: {  	_ =	shalt  }
0x5b: {  	_ =	shalt  }
0x5c: {  	_ =	shalt  }
0x5d: {  	_ =	shalt  }
0x5e: {  	_ =	shalt  }
0x5f: {  	_ =	shalt  }
0x60: {  	_ =	shalt  }
0x61: {  	_ =	shalt  }
0x62: {  	_ =	shalt  }
0x63: {  	_ =	shalt  }
0x64: {  	_ =	shalt  }
0x65: {  	_ =	shalt  }
0x66: {  	_ =	shalt  }
0x67: {  	_ =	shalt  }
0x68: {  	_ =	shalt  }
0x69: {  	_ =	shalt  }
0x6a: {  	_ =	shalt  }
0x6b: {  	_ =	shalt  }
0x6c: {  	_ =	shalt  }
0x6d: {  	_ =	shalt  }
0x6e: {  	_ =	shalt  }
0x6f: {  	_ =	shalt  }
0x70: {  	_ =	shalt  }
0x71: {  	_ =	shalt  }
0x72: {  	_ =	shalt  }
0x73: {  	_ =	shalt  }
0x74: {  	_ =	shalt  }
0x75: {  	_ =	shalt  }
0x76: {  	_ =	shalt  }
0x77: {  	_ =	shalt  }
0x78: {  	_ =	shalt  }
0x79: {  	_ =	shalt  }
0x7a: {  	_ =	shalt  }
0x7b: {  	_ =	shalt  }
0x7c: {  	_ =	shalt  }
0x7d: {  	_ =	shalt  }
0x7e: {  	_ =	shalt  }
0x7f: {  	_ =	shalt  }
0x80: {  	_ =	shalt  }
0x81: {  	_ =	shalt  }
0x82: {  	_ =	shalt  }
0x83: {  	_ =	shalt  }
0x84: {  	_ =	shalt  }
0x85: {  	_ =	shalt  }
0x86: {  	_ =	shalt  }
0x87: {  	_ =	shalt  }
.Lfunc_end0:
.L_simem_size_0:
called_computation_lowered:
.L_overlay_start_0:
0x88: {  	s2 =	sld [smem:$0x3FD9]  }
0x89: {  	s3 =	sld [smem:$0x3FFE];
	_ =	sdelay $0x1  }
0x8a: {  	s1 =	srdreg.scid  }
0x8b: {  	s0 =	sand.u32 $0x1, s1  }
0x8c: {  	s16 =	sshll.u32 s0, $0xA;
	s2 =	sadd.s32 s3, s2  }
0x8d: {  	s2 =	sadd.s32 s2, s16  }
0x8e: {  	[smem:$0x3FC2] =	sst s2  }
0x8f: {  	_ = 	snop  }
0x90: {  	(tm) =	ssettm $0x1  }
0x91: {  	s17 =	sld [smem:$0x3FFB];
	_ =	sdelay $0x3  }
0x92: {  	_ =	strace s17  }
0x93: {  	s2 =	sld [smem:$0x3FFC];
	_ =	sdelay $0x3  }
0x94: {  	_ =	strace s2  }
0x95: {  	s2 =	sld [smem:$0x3FFD];
	_ =	sdelay $0x3  }
0x96: {  	_ =	strace s2  }
0x97: {  	_ =	strace $0x8FFFFFFF  }
0x98: {  	s18 =	sld [smem:$0x3FDB];
	_ =	sdelay $0x1  }
0x99: {  	s19 =	simm.s32 $_scs_section_size  }
0x9a: {  	s4 =	simm.s32 $_size__tile_overlayer_lowered;
	s5 =	simm.s32 $_tile_overlayer_lowered  }
0x9b: {  	s22 =	simm.s32 $0x1BFF;
	s21 =	sshll.u32 s5, $0x1;
	s2 =	sadd.s32 s19, s18  }
0x9c: {  	s6 =	simm.s32 $0x0;
	s20 =	sshll.u32 s4, $0x1;
	s4 =	sadd.s32 s21, s2  }
0x9d: {  	[timem:s6], [sflag:s22] =	dma.local [hbm:s4], s20  }
0x9e: {  	_ =	swait.ge [sflag:s22], s20  }
0x9f: {  	s3 =	ssub.s32 $0x0, s20;
	[sflag:s22] =	ssyncset.done $0x0  }
0xa0: {  	[sflag:s22] =	ssyncadd.s32 s3;
	_ =	sdelay $0x1  }
0xa1: {  	s23 =	simm.s32 $0x1B8B  }
0xa2: {  	_ =	swait.ge [sflag:s23], $0x1  }
0xa3: {  	[sflag:s23] =	ssyncset.done $0x0  }
0xa4: {  	s25 =	simm.s32 $0x1B8E;
	s24 =	sld [smem:$0x3FFE];
	[sflag:s23] =	ssyncadd.s32 $0xFFFFFFFF  }
0xa5: {  	s26 =	simm.s32 $execute0_lowered;
	[smem:$0x3FD2] =	sst s25  }
0xa6: {  	s4 =	sshll.u32 s26, $0x1;
	_ =	strace $0x80000046;
	[dreg:$0x1] =	wrdreg $0xFFFFFFFF  }
0xa7: {  	s28 =	simm.s32 $_size_execute0_lowered;
	s2 =	sadd.s32 s2, s4;
	[dreg:$0x0] =	wrdreg $0x0  }
0xa8: {  	s4 =	sshll.u32 s28, $0x1;
	[dreg:$0x2] =	wrdreg s2  }
0xa9: {  	[dreg:$0x3] =	wrdreg s4  }
0xaa: {  	[dreg:$0x4] =	wrdreg $0xC0  }
0xab: {  	_ =	task [dreg:s6], $0x5FFFF  }
0xac: {  	[dreg:$0x1] =	wrdreg $0xFFFFFFFF  }
0xad: {  	[dreg:$0x0] =	wrdreg $0x60  }
0xae: {  	[dreg:$0x2] =	wrdreg s24  }
0xaf: {  	[dreg:$0x3] =	wrdreg $0x2B000  }
0xb0: {  	[dreg:$0x4] =	wrdreg $0x9  }
0xb1: {  	_ =	task.clear_ibuf [dreg:s6], $0x5FFFF;
	_ =	strace $0x90000046  }
0xb2: {  	s29 =	simm.s32 $0x9;
	_ =	strace $0x80000048  }
0xb3: {  	_ =	swait.ge [sflag:s29], $0x1  }
0xb4: {  	[sflag:s29] =	ssyncadd.s32 $0xFFFFFFFF  }
0xb5: {  	_ =	strace $0x90000048  }
0xb6: {  	_ =	sfence  }
0xb7: {  	s30 =	sld [smem:$0x0];
	_ =	sdelay $0x2  }
0xb8: {  	s31 =	sshll.u32 s1, $0xD;
	s1 =	sshrl.u32 s1, $0x2  }
0xb9: {  	s3 =	sand.u32 $0x4000, s31;
	s1 =	sadd.s32 s1, s30  }
0xba: {  	s0 =	sor.u32 s3, s0;
	s1 =	sshll.u32 s1, $0x11  }
0xbb: {  	s0 =	sor.u32 s1, s0  }
0xbc: {  	s0 =	sadd.s32 $0x8F2B, s0  }
0xbd: {  	[sflag:s0] =	ssyncadd.remote.s32 $0x1  }
0xbe: {  	_ =	sfence.sel $0xFFFF  }
0xbf: {  	[dreg:$0x0] =	wrdreg $0xFFFFFFFF;
	(pc) =	sbr.abs _section_cstart, $3  }
0xc0: {  	[dreg:$0x1] =	wrdreg $0xFFFFFFFF  }
0xc1: {  	_ =	task.clear_ibuf [dreg:s6], $0x2FFFF;
	_ =	strace $0x9FFFFFFF  }
0xc2: {  	(tm) =	ssettm $0x7FFFFFFF  }
0xc3: {  	_ =	shalt  }
tec
execute0_lowered:
.L_overlay_start_1:
0x0: {  	(tag) =	ssettag $0x1  }
0x1: {  	s0 =	srdreg.scid  }
0x2: {  	s4 =	rddreg [dreg:$0x0];
	s10 =	stileid.u32  }
0x3: {  	s1 =	rddreg [dreg:$0x1];
	s2 =	simm.s32 $0x0;
	s9 =	simm.s32 $0x80  }
0x4: {  	s12 =	simm.s32 $0x0;
	s3 =	sand.u32 $0x1, s0;
	s0 =	rddreg [dreg:$0x2]  }
0x5: {  	[smem:$0x7FF] =	sst s2;
	s7 =	smul.u32 $0xA00, s10;
	p0 =	sne.s32 s10, $0x0  }
0x6: {  	s5 =	sshll.u32 s3, $0x4;
	_ =	strace $0x80000047;
	s3 =	ssub.s32 $0x2, s3  }
0x7: {  	s11 =	sshrl.u32 @!p0 s1, $0x3;
	s6 =	sor.u32 s10, s5;
	s5 =	sadd.s32 s5, s4  }
0x8: {  	s31 =	sshrl.u32 s3, $0x1;
	s7 =	sshrl.u32 s7, $0x2;
	s6 =	smul.u32 $0x500, s6  }
0x9: {  	s10 =	simm.s32 $0x2800;
	s8 =	ssub.s32 s3, s31;
	s5 =	sadd.s32 $0xBE00, s5  }
0xa: {  	s6 =	sadd.s32 s6, s4;
	s4 =	sadd.s32 s7, s1;
	s7 =	simm.s32 $0x1  }
0xb: {  	v0 =	vimm.f32 $1.000000000e+00;
	v1 =	vimm.f32 $0.0e+00;
	s3 =	sadd.s32 $0x1E00, s6;
	s6 =	smax.u32 s8, $0x1;
	s8 =	simm.s32 $0x2880  }
.LBB2_1:
0xc: {  	[tilespmem:s2], [sflag:$0x1] =	stream.linear.gather [hbm4b:s3+s2], $0x2800, $0x38;
	[tilespmem:$0x2D80] =	vst v63  }
0xd: {  	_ =	swait.ge [sflag:s7], $0x2800  }
0xe: {  	[sflag:s7] =	ssyncset.done $0x0  }
0xf: {  	[sflag:s7] =	ssyncadd.s32 $0xFFFFD800  }
0x10: {  	[tilespmem:$0x2800] =	vst v0  }
0x11: {  	[tilespmem:$0x2810] =	vst v0  }
0x12: {  	[tilespmem:$0x2820] =	vst v0  }
0x13: {  	[tilespmem:$0x2830] =	vst v0  }
0x14: {  	[tilespmem:$0x2840] =	vst v0  }
0x15: {  	[tilespmem:$0x2850] =	vst v0  }
0x16: {  	[tilespmem:$0x2860] =	vst v0  }
0x17: {  	[tilespmem:$0x2870] =	vst v0  }
0x18: {  	[tilespmem:$0x2880] =	vst v1  }
0x19: {  	[tilespmem:$0x2890] =	vst v1  }
0x1a: {  	[tilespmem:$0x28A0] =	vst v1  }
0x1b: {  	[tilespmem:$0x28B0] =	vst v1  }
0x1c: {  	[tilespmem:$0x28C0] =	vst v1  }
0x1d: {  	[tilespmem:$0x28D0] =	vst v1  }
0x1e: {  	[tilespmem:$0x28E0] =	vst v1  }
0x1f: {  	[tilespmem:$0x28F0] =	vst v1  }
0x20: {  	[tilespmem:$0x2900] =	vst v1  }
0x21: {  	[tilespmem:$0x2910] =	vst v1  }
0x22: {  	[tilespmem:$0x2920] =	vst v1  }
0x23: {  	[tilespmem:$0x2930] =	vst v1  }
0x24: {  	[tilespmem:$0x2940] =	vst v1  }
0x25: {  	[tilespmem:$0x2950] =	vst v1  }
0x26: {  	[tilespmem:$0x2960] =	vst v1  }
0x27: {  	[tilespmem:$0x2970] =	vst v1  }
0x28: {  	[tilespmem:$0x2980] =	vst v1  }
0x29: {  	[tilespmem:$0x2990] =	vst v1  }
0x2a: {  	[tilespmem:$0x29A0] =	vst v1  }
0x2b: {  	[tilespmem:$0x29B0] =	vst v1  }
0x2c: {  	[tilespmem:$0x29C0] =	vst v1  }
0x2d: {  	[tilespmem:$0x29D0] =	vst v1  }
0x2e: {  	[tilespmem:$0x29E0] =	vst v1  }
0x2f: {  	[tilespmem:$0x29F0] =	vst v1  }
0x30: {  	[tilespmem:$0x2A00] =	vst v1  }
0x31: {  	[tilespmem:$0x2A10] =	vst v1  }
0x32: {  	[tilespmem:$0x2A20] =	vst v1  }
0x33: {  	[tilespmem:$0x2A30] =	vst v1  }
0x34: {  	[tilespmem:$0x2A40] =	vst v1  }
0x35: {  	[tilespmem:$0x2A50] =	vst v1  }
0x36: {  	[tilespmem:$0x2A60] =	vst v1  }
0x37: {  	[tilespmem:$0x2A70] =	vst v1  }
0x38: {  	[tilespmem:$0x2A80] =	vst v1  }
0x39: {  	[tilespmem:$0x2A90] =	vst v1  }
0x3a: {  	[tilespmem:$0x2AA0] =	vst v1  }
0x3b: {  	[tilespmem:$0x2AB0] =	vst v1  }
0x3c: {  	[tilespmem:$0x2AC0] =	vst v1  }
0x3d: {  	[tilespmem:$0x2AD0] =	vst v1  }
0x3e: {  	[tilespmem:$0x2AE0] =	vst v1  }
0x3f: {  	[tilespmem:$0x2AF0] =	vst v1  }
0x40: {  	[spmem:s4] =	stream.linear.scatter [tilespmem:s8], [sflag:$0x1], $0x280, $0x38;
	[tilespmem:$0x2D80] =	vst v63  }
0x41: {  	_ =	swait.ge [sflag:s7], $0x280  }
0x42: {  	[sflag:s7] =	ssyncset.done $0x0  }
0x43: {  	[sflag:s7] =	ssyncadd.s32 $0xFFFFFD80  }
0x44: {  	s13 =	simm.s32 $0x0;
	[bflag:$0x0] =	sbarrier.arrive $0xFFFF  }
0x45: {  	[spmem:s1] =	stream.indirect.scatter.add.f32 [tilespmem:s10], [sflag:$0x1], $0x1, s13, s9, $0xb8;
	[tilespmem:$0x2D80] =	vst v63  }
0x46: {  	_ =	swait.ge [sflag:s7], $0x80  }
0x47: {  	s13 =	simm.s32 $0x200;
	[sflag:s7] =	ssyncset.done $0x0  }
.LBB2_2:
0x48: {  	s14 =	sshra.s32 s13, $0x2;
	[sflag:s7] =	ssyncadd.s32 $0xFFFFFF80;
	p1 =	sne.s32 s13, $0x9E00  }
0x49: {  	[spmem:s1] =	stream.indirect.scatter.add.f32 [tilespmem:s10], [sflag:$0x1], $0x1, s14, s9, $0xb8;
	[tilespmem:$0x2D80] =	vst v63  }
.Ltmp0:
0x4a: {  	_ = 	snop;
	(pc) =	sbr.rel @p1 .LBB2_2-.Ltmp0, $4  }
0x4b: {  	_ = 	snop  }
0x4c: {  	s13 =	sadd.s32 $0x200, s13  }
0x4d: {  	_ =	swait.ge [sflag:s7], $0x80  }
0x4e: {  	[sflag:s7] =	ssyncset.done $0x0  }
0x4f: {  	[sflag:s7] =	ssyncadd.s32 $0xFFFFFF80;
	s13 =	simm.s32 @!p0 $0x1;
	s12 =	sadd.s32 $0x1, s12  }
0x50: {  	s14 =	simm.s32 @!p0 $0x20;
	s15 =	simm.s32 @!p0 $0x10;
	p1 =	sne.s32 s12, s6  }
.Ltmp1:
0x51: {  	s16 =	simm.s32 @!p0 $0x1C01;
	[bflag:$0x0] =	sbarrier.arrive $0xFFFF;
	(pc) =	sbr.rel @p1 .LBB2_1-.Ltmp1, $4  }
0x52: {  	[hbm:s5@s14], [sflag:s16] =	dma.strided @!p0 [spmem:s11@s15], $0x500, s13, $0x10   }
0x53: {  	_ =	swait.ge @!p0 [sflag:s13], $0x500  }
0x54: {  	[sflag:s13] =	ssyncset.done @!p0 $0x0  }
0x55: {  	[sflag:s13] =	ssyncadd.s32 @!p0 $0xFFFFFB00  }
0x56: {  	_ =	sfence.sel $0x180000  }
0x57: {  	[bflag:$0x0] =	sbarrier.arrive $0xFFFF  }
0x58: {  	_ =	strace $0x90000047  }
0x59: {  	s0 =	sadd.s32 @!p0 $0x100000, s0;
	[bflag:$0x2] =	sbarrier.arrive $0xFFFF  }
0x5a: {  	[sflag:s0] =	ssyncadd.tile.s32 @!p0 $0x1;
	_ =	shalt  }
.Lfunc_end2:
_tile_overlayer_lowered:
.L_overlay_start_2:
0x5b: {  	(tag) =	ssettag $0x2  }
0x5c: {  	s0 =	rddreg [dreg:$0x0];
	s2 =	stileid.u32  }
0x5d: {  	s1 =	rddreg [dreg:$0x1];
	p0 =	sne.s32 s2, $0x0  }
0x5e: {  	s3 =	rddreg [dreg:$0x2];
	[bflag:$0x3] =	sbarrier.arrive $0xFFFF;
	s2 =	simm.s32 @!p0 $0x1C01  }
0x5f: {  	[timem:s3], [sflag:s2] =	dma.local @!p0 [hbm:s0], s1  }
0x60: {  	s0 =	simm.s32 @!p0 $0x1  }
0x61: {  	_ =	swait.ge @!p0 [sflag:s0], s1  }
0x62: {  	s1 =	ssub.s32 @!p0 $0x0, s1;
	[sflag:s0] =	ssyncset.done @!p0 $0x0  }
0x63: {  	[sflag:s0] =	ssyncadd.s32 @!p0 s1  }
0x64: {  	[bflag:$0x3] =	sbarrier.arrive $0xFFFF  }
0x65: {  	_ =	shalt  }

</sc_bundles>
